<compile_context>
chip_gen: v7x
topology: tpu7x:2x2x1
jax: 0.10.2.dev20260603
libtpu: 0.0.44.dev20260713+nightly
codegen_flags: <defaults>
</compile_context>

<pallas_src>
import functools

import jax
import jax.numpy as jnp
from jax import lax
from jax.experimental import pallas as pl
from jax.experimental.pallas import tpu as pltpu
from jax.experimental.pallas import tpu_sc as plsc

_NC, _NS, _L = 2, 16, 16
_NW = _NC * _NS
_CH = 16
_NBUF = 3
_DEPTH = 2


def _sc_gather_add(x_nc, idx_n, table):
    N, C = x_nc.shape
    n_per_w = N // _NW
    CH, NB, D = _CH, _NBUF, _DEPTH
    n_ch = n_per_w // CH
    mesh = plsc.VectorSubcoreMesh(core_axis_name="c", subcore_axis_name="s")

    scratch = [
        pltpu.VMEM((n_per_w,), jnp.int32),
        pltpu.VMEM((NB, CH, C), jnp.float32),
        pltpu.VMEM((NB, CH, C), jnp.float32),
        pltpu.SemaphoreType.DMA((NB,)),
        pltpu.SemaphoreType.DMA((NB,)),
        pltpu.SemaphoreType.DMA((NB,)),
    ]

    @functools.partial(
        pl.kernel,
        out_type=jax.ShapeDtypeStruct((N, C), jnp.float32),
        mesh=mesh,
        scratch_types=scratch,
    )
    def k(x_hbm, idx_hbm, tab_hbm, out_hbm, idx_v, xb, rb, sx, sr, so):
        wid = lax.axis_index("s") * _NC + lax.axis_index("c")
        base = wid * n_per_w
        pltpu.sync_copy(idx_hbm.at[pl.ds(base, n_per_w)], idx_v)

        def issue_in(ci, b):
            off = base + ci * CH
            pltpu.async_copy(x_hbm.at[pl.ds(off, CH)], xb.at[b], sx.at[b])
            pltpu.async_copy(tab_hbm.at[idx_v.at[pl.ds(ci * CH, CH)]], rb.at[b],
                             sr.at[b])

        def wait_in(ci, b):
            off = base + ci * CH
            pltpu.make_async_copy(x_hbm.at[pl.ds(off, CH)], xb.at[b],
                                  sx.at[b]).wait()
            pltpu.make_async_copy(
                tab_hbm.at[idx_v.at[pl.ds(ci * CH, CH)]], rb.at[b],
                sr.at[b]).wait()

        def issue_out(ci, b):
            off = base + ci * CH
            pltpu.async_copy(xb.at[b], out_hbm.at[pl.ds(off, CH)], so.at[b])

        def wait_out(ci, b):
            off = base + ci * CH
            pltpu.make_async_copy(xb.at[b], out_hbm.at[pl.ds(off, CH)],
                                  so.at[b]).wait()

        def add_rows(b):
            def row(i, c2):
                for j in range(C // _L):
                    sl = pl.ds(j * _L, _L)
                    plsc.addupdate(xb.at[b, i, sl], rb[b, i, sl])
                return c2

            lax.fori_loop(0, CH, row, 0)

        for p in range(D):
            issue_in(p, p)

        def body(ci, carry):
            b = lax.rem(ci, NB)
            wait_in(ci, b)
            nci = ci + D
            nb = lax.rem(nci, NB)

            @pl.when(nci < n_ch)
            def _():
                @pl.when(nci >= NB)
                def _():
                    wait_out(nci - NB, nb)

                issue_in(nci, nb)

            add_rows(b)
            issue_out(ci, b)
            return carry

        lax.fori_loop(0, n_ch, body, 0)
        for t in range(NB):
            ci = n_ch - NB + t
            wait_out(ci, ci % NB)

    return k(x_nc, idx_n, table)


def kernel(x_btc, times_bt, embeddings_tc, offset):
    B, T, C = x_btc.shape
    x = x_btc.reshape(B * T, C)
    idx = times_bt.reshape(B * T).astype(jnp.int32)
    out = _sc_gather_add(x, idx, embeddings_tc)
    return out.reshape(B, T, C)

# --- scband reference (transcript-rebuilt; emitter-appended) ---
"""Pipeline reference for scband-sinusoidal-embeddings-32323923870110 (READ-ONLY COPY).

The authoritative reference and input builder live on the scoring server;
editing this copy changes nothing except your own understanding.
"""

import jax, jax.numpy as jnp
import numpy as np

BASE = 10000
MAX_TSZ = 8192
EMBED_DIM = 1024
B, T, C = 4, 8192, 1024


def get_embeddings(tsz, embed_dim, base=BASE):
    positions = jnp.arange(tsz, dtype=jnp.float32)
    dim_idx = jnp.arange(embed_dim, dtype=jnp.float32)
    dim = base ** (2.0 * jnp.floor(dim_idx / 2.0) / embed_dim)
    emb = positions[:, None] / dim[None, :]
    parity = jnp.arange(embed_dim) % 2
    emb = jnp.where(parity[None, :] == 0, jnp.sin(emb), jnp.cos(emb))
    return emb.astype(jnp.float32)


def setup_inputs(seed: int = 0) -> dict:
    key = jax.random.key(seed)
    k1, k2 = jax.random.split(key)
    x_btc = jax.random.normal(k1, (B, T, C), dtype=jnp.float32)
    times_bt = jax.random.randint(k2, (B, T), 0, MAX_TSZ, dtype=jnp.int64 if jax.config.jax_enable_x64 else jnp.int32)
    embeddings_tc = get_embeddings(MAX_TSZ, EMBED_DIM)
    return {"x_btc": x_btc, "times_bt": times_bt, "embeddings_tc": embeddings_tc, "offset": 0}


def reference(x_btc, times_bt, embeddings_tc, offset=0):
    # learnable=True path: embeddings_tc is the (initialized-sinusoidal) parameter table.
    # times_bt provided -> per-token gather from the table, added to x.
    return x_btc + embeddings_tc[times_bt]

if __name__ == "__main__":
    import jax
    _d = setup_inputs()
    print(jax.jit(kernel)(*tuple(_d.values())))

</pallas_src>

<mosaic_0001>
#map = affine_map<(d0, d1) -> (0, 0)>
#map1 = affine_map<(d0, d1) -> (0)>
module attributes {stable_mosaic.version = 14 : i64} {
  func.func @k(%arg0: i32, %arg1: i32, %arg2: memref<32768x1024xf32, #tpu.memory_space<hbm>>, %arg3: memref<32768xi32, #tpu.memory_space<hbm>>, %arg4: memref<8192x1024xf32, #tpu.memory_space<hbm>>, %arg5: memref<32768x1024xf32, #tpu.memory_space<hbm>>, %arg6: memref<1024xi32, #tpu.memory_space<vmem>>, %arg7: memref<3x16x1024xf32, #tpu.memory_space<vmem>>, %arg8: memref<3x16x1024xf32, #tpu.memory_space<vmem>>, %arg9: memref<3x!tpu.dma_semaphore, #tpu.memory_space<semaphore_mem>>, %arg10: memref<3x!tpu.dma_semaphore, #tpu.memory_space<semaphore_mem>>, %arg11: memref<3x!tpu.dma_semaphore, #tpu.memory_space<semaphore_mem>>) attributes {dimension_semantics = [#tpu.dimension_semantics<core_parallel>, #tpu.dimension_semantics<subcore_parallel>], iteration_bounds = array<i64: 2, 16>, scalar_prefetch = 0 : i64, scratch_operands = 6 : i64, tpu.core_type = #tpu.core_type<sc_vector_subcore>, window_params = [{transform_indices = #map}, {transform_indices = #map1}, {transform_indices = #map}, {transform_indices = #map}]} {
    %mul3A = arith.constant 2 : i32
    %mul3A_0 = arith.muli %arg1, %mul3A : i32
    %add3A = arith.addi %mul3A_0, %arg0 : i32
    %mul3A_1 = arith.constant 1024 : i32
    %mul3A_2 = arith.muli %add3A, %mul3A_1 : i32
    "tpu.region"() ({
      %run_scoped3A = tpu.sem_alloc : memref<!tpu.dma_semaphore, #tpu.memory_space<semaphore_mem>>
      %dma_start3A_122 = tpu.memref_slice %arg3[%mul3A_2] : memref<32768xi32, #tpu.memory_space<hbm>> -> memref<1024xi32, #tpu.memory_space<hbm>>
      %dma_start3A_123 = tpu.memref_slice %arg3[%mul3A_2] : memref<32768xi32, #tpu.memory_space<hbm>> -> memref<1024xi32, #tpu.memory_space<hbm>>
      tpu.enqueue_dma source(%dma_start3A_123 : memref<1024xi32, #tpu.memory_space<hbm>>) target(%arg6 : memref<1024xi32, #tpu.memory_space<vmem>>) target_semaphore(%run_scoped3A : memref<!tpu.dma_semaphore, #tpu.memory_space<semaphore_mem>>)
      %dma_wait3A_124 = tpu.memref_slice %arg3[%mul3A_2] : memref<32768xi32, #tpu.memory_space<hbm>> -> memref<1024xi32, #tpu.memory_space<hbm>>
      %dma_wait3A_125 = tpu.memref_slice %arg3[%mul3A_2] : memref<32768xi32, #tpu.memory_space<hbm>> -> memref<1024xi32, #tpu.memory_space<hbm>>
      tpu.wait_dma2 semaphore(%run_scoped3A : memref<!tpu.dma_semaphore, #tpu.memory_space<semaphore_mem>>) src(%dma_wait3A_125 : memref<1024xi32, #tpu.memory_space<hbm>>) dst(%arg6 : memref<1024xi32, #tpu.memory_space<vmem>>)
      tpu.yield
    }) : () -> ()
    %add3A_3 = arith.constant 0 : i32
    %add3A_4 = arith.addi %mul3A_2, %add3A_3 : i32
    %dma_start3A = arith.constant 0 : i32
    %dma_start3A_5 = arith.constant 0 : i32
    %dma_start3A_6 = arith.constant 0 : i32
    %dma_start3A_7 = arith.constant 0 : i32
    %dma_start3A_8 = tpu.memref_slice %arg7[%dma_start3A, %dma_start3A_6, %dma_start3A_7] : memref<3x16x1024xf32, #tpu.memory_space<vmem>> -> memref<1x16x1024xf32, #tpu.memory_space<vmem>>
    %dma_start3A_9 = tpu.memref_squeeze %dma_start3A_8 : memref<1x16x1024xf32, #tpu.memory_space<vmem>> -> memref<16x1024xf32, #tpu.memory_space<vmem>>
    %dma_start3A_10 = arith.constant 0 : i32
    %dma_start3A_11 = tpu.memref_slice %arg2[%add3A_4, %dma_start3A_10] : memref<32768x1024xf32, #tpu.memory_space<hbm>> -> memref<16x1024xf32, #tpu.memory_space<hbm>>
    %dma_start3A_12 = tpu.memref_slice %arg9[%dma_start3A_5] : memref<3x!tpu.dma_semaphore, #tpu.memory_space<semaphore_mem>> -> memref<1x!tpu.dma_semaphore, #tpu.memory_space<semaphore_mem>>
    %dma_start3A_13 = tpu.memref_squeeze %dma_start3A_12 : memref<1x!tpu.dma_semaphore, #tpu.memory_space<semaphore_mem>> -> memref<!tpu.dma_semaphore, #tpu.memory_space<semaphore_mem>>
    %dma_start3A_14 = arith.constant 0 : i32
    %dma_start3A_15 = arith.constant 0 : i32
    %dma_start3A_16 = tpu.memref_slice %arg7[%dma_start3A, %dma_start3A_14, %dma_start3A_15] : memref<3x16x1024xf32, #tpu.memory_space<vmem>> -> memref<1x16x1024xf32, #tpu.memory_space<vmem>>
    %dma_start3A_17 = tpu.memref_squeeze %dma_start3A_16 : memref<1x16x1024xf32, #tpu.memory_space<vmem>> -> memref<16x1024xf32, #tpu.memory_space<vmem>>
    %dma_start3A_18 = arith.constant 0 : i32
    %dma_start3A_19 = tpu.memref_slice %arg2[%add3A_4, %dma_start3A_18] : memref<32768x1024xf32, #tpu.memory_space<hbm>> -> memref<16x1024xf32, #tpu.memory_space<hbm>>
    tpu.enqueue_dma source(%dma_start3A_19 : memref<16x1024xf32, #tpu.memory_space<hbm>>) target(%dma_start3A_17 : memref<16x1024xf32, #tpu.memory_space<vmem>>) target_semaphore(%dma_start3A_13 : memref<!tpu.dma_semaphore, #tpu.memory_space<semaphore_mem>>)
    %dma_start3A_20 = arith.constant 0 : i32
    %dma_start3A_21 = arith.constant 0 : i32
    %dma_start3A_22 = arith.constant 0 : i32
    %dma_start3A_23 = arith.constant 0 : i32
    %dma_start3A_24 = tpu.memref_slice %arg8[%dma_start3A_20, %dma_start3A_22, %dma_start3A_23] : memref<3x16x1024xf32, #tpu.memory_space<vmem>> -> memref<1x16x1024xf32, #tpu.memory_space<vmem>>
    %dma_start3A_25 = tpu.memref_squeeze %dma_start3A_24 : memref<1x16x1024xf32, #tpu.memory_space<vmem>> -> memref<16x1024xf32, #tpu.memory_space<vmem>>
    %dma_start3A_26 = arith.constant 0 : i32
    %dma_start3A_27 = tpu.memref_slice %arg6[%dma_start3A_26] : memref<1024xi32, #tpu.memory_space<vmem>> -> memref<16xi32, #tpu.memory_space<vmem>>
    %dma_start3A_28 = arith.constant 0 : i32
    %dma_start3A_29 = arith.constant 0 : i32
    %dma_start3A_30 = tpu.memref_slice %arg4[%dma_start3A_28, %dma_start3A_29] : memref<8192x1024xf32, #tpu.memory_space<hbm>> -> memref<8192x1024xf32, #tpu.memory_space<hbm>>
    %dma_start3A_31 = tpu.memref_slice %arg10[%dma_start3A_21] : memref<3x!tpu.dma_semaphore, #tpu.memory_space<semaphore_mem>> -> memref<1x!tpu.dma_semaphore, #tpu.memory_space<semaphore_mem>>
    %dma_start3A_32 = tpu.memref_squeeze %dma_start3A_31 : memref<1x!tpu.dma_semaphore, #tpu.memory_space<semaphore_mem>> -> memref<!tpu.dma_semaphore, #tpu.memory_space<semaphore_mem>>
    tpu.enqueue_indirect_dma source(%dma_start3A_30 : memref<8192x1024xf32, #tpu.memory_space<hbm>>) target(%dma_start3A_25 : memref<16x1024xf32, #tpu.memory_space<vmem>>) offsets(%dma_start3A_27 : memref<16xi32, #tpu.memory_space<vmem>>) semaphore(%dma_start3A_32 : memref<!tpu.dma_semaphore, #tpu.memory_space<semaphore_mem>>)
    %add3A_33 = arith.constant 16 : i32
    %add3A_34 = arith.addi %mul3A_2, %add3A_33 : i32
    %dma_start3A_35 = arith.constant 1 : i32
    %dma_start3A_36 = arith.constant 1 : i32
    %dma_start3A_37 = arith.constant 0 : i32
    %dma_start3A_38 = arith.constant 0 : i32
    %dma_start3A_39 = tpu.memref_slice %arg7[%dma_start3A_35, %dma_start3A_37, %dma_start3A_38] : memref<3x16x1024xf32, #tpu.memory_space<vmem>> -> memref<1x16x1024xf32, #tpu.memory_space<vmem>>
    %dma_start3A_40 = tpu.memref_squeeze %dma_start3A_39 : memref<1x16x1024xf32, #tpu.memory_space<vmem>> -> memref<16x1024xf32, #tpu.memory_space<vmem>>
    %dma_start3A_41 = arith.constant 0 : i32
    %dma_start3A_42 = tpu.memref_slice %arg2[%add3A_34, %dma_start3A_41] : memref<32768x1024xf32, #tpu.memory_space<hbm>> -> memref<16x1024xf32, #tpu.memory_space<hbm>>
    %dma_start3A_43 = tpu.memref_slice %arg9[%dma_start3A_36] : memref<3x!tpu.dma_semaphore, #tpu.memory_space<semaphore_mem>> -> memref<1x!tpu.dma_semaphore, #tpu.memory_space<semaphore_mem>>
    %dma_start3A_44 = tpu.memref_squeeze %dma_start3A_43 : memref<1x!tpu.dma_semaphore, #tpu.memory_space<semaphore_mem>> -> memref<!tpu.dma_semaphore, #tpu.memory_space<semaphore_mem>>
    %dma_start3A_45 = arith.constant 0 : i32
    %dma_start3A_46 = arith.constant 0 : i32
    %dma_start3A_47 = tpu.memref_slice %arg7[%dma_start3A_35, %dma_start3A_45, %dma_start3A_46] : memref<3x16x1024xf32, #tpu.memory_space<vmem>> -> memref<1x16x1024xf32, #tpu.memory_space<vmem>>
    %dma_start3A_48 = tpu.memref_squeeze %dma_start3A_47 : memref<1x16x1024xf32, #tpu.memory_space<vmem>> -> memref<16x1024xf32, #tpu.memory_space<vmem>>
    %dma_start3A_49 = arith.constant 0 : i32
    %dma_start3A_50 = tpu.memref_slice %arg2[%add3A_34, %dma_start3A_49] : memref<32768x1024xf32, #tpu.memory_space<hbm>> -> memref<16x1024xf32, #tpu.memory_space<hbm>>
    tpu.enqueue_dma source(%dma_start3A_50 : memref<16x1024xf32, #tpu.memory_space<hbm>>) target(%dma_start3A_48 : memref<16x1024xf32, #tpu.memory_space<vmem>>) target_semaphore(%dma_start3A_44 : memref<!tpu.dma_semaphore, #tpu.memory_space<semaphore_mem>>)
    %dma_start3A_51 = arith.constant 1 : i32
    %dma_start3A_52 = arith.constant 1 : i32
    %dma_start3A_53 = arith.constant 0 : i32
    %dma_start3A_54 = arith.constant 0 : i32
    %dma_start3A_55 = tpu.memref_slice %arg8[%dma_start3A_51, %dma_start3A_53, %dma_start3A_54] : memref<3x16x1024xf32, #tpu.memory_space<vmem>> -> memref<1x16x1024xf32, #tpu.memory_space<vmem>>
    %dma_start3A_56 = tpu.memref_squeeze %dma_start3A_55 : memref<1x16x1024xf32, #tpu.memory_space<vmem>> -> memref<16x1024xf32, #tpu.memory_space<vmem>>
    %dma_start3A_57 = arith.constant 16 : i32
    %dma_start3A_58 = tpu.memref_slice %arg6[%dma_start3A_57] : memref<1024xi32, #tpu.memory_space<vmem>> -> memref<16xi32, #tpu.memory_space<vmem>>
    %dma_start3A_59 = arith.constant 0 : i32
    %dma_start3A_60 = arith.constant 0 : i32
    %dma_start3A_61 = tpu.memref_slice %arg4[%dma_start3A_59, %dma_start3A_60] : memref<8192x1024xf32, #tpu.memory_space<hbm>> -> memref<8192x1024xf32, #tpu.memory_space<hbm>>
    %dma_start3A_62 = tpu.memref_slice %arg10[%dma_start3A_52] : memref<3x!tpu.dma_semaphore, #tpu.memory_space<semaphore_mem>> -> memref<1x!tpu.dma_semaphore, #tpu.memory_space<semaphore_mem>>
    %dma_start3A_63 = tpu.memref_squeeze %dma_start3A_62 : memref<1x!tpu.dma_semaphore, #tpu.memory_space<semaphore_mem>> -> memref<!tpu.dma_semaphore, #tpu.memory_space<semaphore_mem>>
    tpu.enqueue_indirect_dma source(%dma_start3A_61 : memref<8192x1024xf32, #tpu.memory_space<hbm>>) target(%dma_start3A_56 : memref<16x1024xf32, #tpu.memory_space<vmem>>) offsets(%dma_start3A_58 : memref<16xi32, #tpu.memory_space<vmem>>) semaphore(%dma_start3A_63 : memref<!tpu.dma_semaphore, #tpu.memory_space<semaphore_mem>>)
    %scan3A = arith.constant 0 : i32
    %scan3A_64 = arith.constant 0 : i32
    %scan3A_65 = arith.constant 64 : i32
    %scan3A_66 = arith.addi %scan3A_64, %scan3A_65 : i32
    %scan3A_67 = arith.constant 1 : i32
    scf.for %scan3A_122 = %scan3A_64 to %scan3A_66 step %scan3A_67  : i32 {
      %rem3A = arith.constant 3 : i32
      %rem3A_123 = arith.remsi %scan3A_122, %rem3A : i32
      %mul3A_124 = arith.constant 16 : i32
      %mul3A_125 = arith.muli %scan3A_122, %mul3A_124 : i32
      %add3A_126 = arith.addi %mul3A_2, %mul3A_125 : i32
      %dma_wait3A_127 = arith.constant 0 : i32
      %dma_wait3A_128 = arith.constant 0 : i32
      %dma_wait3A_129 = tpu.memref_slice %arg7[%rem3A_123, %dma_wait3A_127, %dma_wait3A_128] : memref<3x16x1024xf32, #tpu.memory_space<vmem>> -> memref<1x16x1024xf32, #tpu.memory_space<vmem>>
      %dma_wait3A_130 = tpu.memref_squeeze %dma_wait3A_129 : memref<1x16x1024xf32, #tpu.memory_space<vmem>> -> memref<16x1024xf32, #tpu.memory_space<vmem>>
      %dma_wait3A_131 = arith.constant 0 : i32
      %dma_wait3A_132 = tpu.memref_slice %arg2[%add3A_126, %dma_wait3A_131] : memref<32768x1024xf32, #tpu.memory_space<hbm>> -> memref<16x1024xf32, #tpu.memory_space<hbm>>
      %dma_wait3A_133 = tpu.memref_slice %arg9[%rem3A_123] : memref<3x!tpu.dma_semaphore, #tpu.memory_space<semaphore_mem>> -> memref<1x!tpu.dma_semaphore, #tpu.memory_space<semaphore_mem>>
      %dma_wait3A_134 = tpu.memref_squeeze %dma_wait3A_133 : memref<1x!tpu.dma_semaphore, #tpu.memory_space<semaphore_mem>> -> memref<!tpu.dma_semaphore, #tpu.memory_space<semaphore_mem>>
      %dma_wait3A_135 = arith.constant 0 : i32
      %dma_wait3A_136 = arith.constant 0 : i32
      %dma_wait3A_137 = tpu.memref_slice %arg7[%rem3A_123, %dma_wait3A_135, %dma_wait3A_136] : memref<3x16x1024xf32, #tpu.memory_space<vmem>> -> memref<1x16x1024xf32, #tpu.memory_space<vmem>>
      %dma_wait3A_138 = tpu.memref_squeeze %dma_wait3A_137 : memref<1x16x1024xf32, #tpu.memory_space<vmem>> -> memref<16x1024xf32, #tpu.memory_space<vmem>>
      %dma_wait3A_139 = arith.constant 0 : i32
      %dma_wait3A_140 = tpu.memref_slice %arg2[%add3A_126, %dma_wait3A_139] : memref<32768x1024xf32, #tpu.memory_space<hbm>> -> memref<16x1024xf32, #tpu.memory_space<hbm>>
      tpu.wait_dma2 semaphore(%dma_wait3A_134 : memref<!tpu.dma_semaphore, #tpu.memory_space<semaphore_mem>>) src(%dma_wait3A_140 : memref<16x1024xf32, #tpu.memory_space<hbm>>) dst(%dma_wait3A_138 : memref<16x1024xf32, #tpu.memory_space<vmem>>)
      %mul3A_141 = arith.constant 16 : i32
      %mul3A_142 = arith.muli %scan3A_122, %mul3A_141 : i32
      %dma_wait3A_143 = arith.constant 0 : i32
      %dma_wait3A_144 = arith.constant 0 : i32
      %dma_wait3A_145 = tpu.memref_slice %arg8[%rem3A_123, %dma_wait3A_143, %dma_wait3A_144] : memref<3x16x1024xf32, #tpu.memory_space<vmem>> -> memref<1x16x1024xf32, #tpu.memory_space<vmem>>
      %dma_wait3A_146 = tpu.memref_squeeze %dma_wait3A_145 : memref<1x16x1024xf32, #tpu.memory_space<vmem>> -> memref<16x1024xf32, #tpu.memory_space<vmem>>
      %dma_wait3A_147 = tpu.memref_slice %arg6[%mul3A_142] : memref<1024xi32, #tpu.memory_space<vmem>> -> memref<16xi32, #tpu.memory_space<vmem>>
      %dma_wait3A_148 = arith.constant 0 : i32
      %dma_wait3A_149 = arith.constant 0 : i32
      %dma_wait3A_150 = tpu.memref_slice %arg4[%dma_wait3A_148, %dma_wait3A_149] : memref<8192x1024xf32, #tpu.memory_space<hbm>> -> memref<8192x1024xf32, #tpu.memory_space<hbm>>
      %dma_wait3A_151 = tpu.memref_slice %arg10[%rem3A_123] : memref<3x!tpu.dma_semaphore, #tpu.memory_space<semaphore_mem>> -> memref<1x!tpu.dma_semaphore, #tpu.memory_space<semaphore_mem>>
      %dma_wait3A_152 = tpu.memref_squeeze %dma_wait3A_151 : memref<1x!tpu.dma_semaphore, #tpu.memory_space<semaphore_mem>> -> memref<!tpu.dma_semaphore, #tpu.memory_space<semaphore_mem>>
      tpu.wait_indirect_dma semaphore(%dma_wait3A_152 : memref<!tpu.dma_semaphore, #tpu.memory_space<semaphore_mem>>) src(%dma_wait3A_150 : memref<8192x1024xf32, #tpu.memory_space<hbm>>) dst(%dma_wait3A_146 : memref<16x1024xf32, #tpu.memory_space<vmem>>)
      %add3A_153 = arith.constant 2 : i32
      %add3A_154 = arith.addi %scan3A_122, %add3A_153 : i32
      %rem3A_155 = arith.constant 3 : i32
      %rem3A_156 = arith.remsi %add3A_154, %rem3A_155 : i32
      %lt3A = arith.constant 64 : i32
      %lt3A_157 = arith.cmpi slt, %add3A_154, %lt3A : i32
      %convert_element_type3A = arith.extui %lt3A_157 : i1 to i32
      %cond3A = arith.constant 0 : i32
      %cond3A_158 = arith.cmpi ne, %convert_element_type3A, %cond3A : i32
      scf.if %cond3A_158 {
        %ge3A = arith.constant 3 : i32
        %ge3A_182 = arith.cmpi sge, %add3A_154, %ge3A : i32
        %convert_element_type3A_183 = arith.extui %ge3A_182 : i1 to i32
        %cond3A_184 = arith.constant 0 : i32
        %cond3A_185 = arith.cmpi ne, %convert_element_type3A_183, %cond3A_184 : i32
        scf.if %cond3A_185 {
          %sub3A = arith.constant 3 : i32
          %sub3A_215 = arith.subi %add3A_154, %sub3A : i32
          %mul3A_216 = arith.constant 16 : i32
          %mul3A_217 = arith.muli %sub3A_215, %mul3A_216 : i32
          %add3A_218 = arith.addi %mul3A_2, %mul3A_217 : i32
          %dma_wait3A_219 = arith.constant 0 : i32
          %dma_wait3A_220 = arith.constant 0 : i32
          %dma_wait3A_221 = tpu.memref_slice %arg7[%rem3A_156, %dma_wait3A_219, %dma_wait3A_220] : memref<3x16x1024xf32, #tpu.memory_space<vmem>> -> memref<1x16x1024xf32, #tpu.memory_space<vmem>>
          %dma_wait3A_222 = tpu.memref_squeeze %dma_wait3A_221 : memref<1x16x1024xf32, #tpu.memory_space<vmem>> -> memref<16x1024xf32, #tpu.memory_space<vmem>>
          %dma_wait3A_223 = arith.constant 0 : i32
          %dma_wait3A_224 = tpu.memref_slice %arg5[%add3A_218, %dma_wait3A_223] : memref<32768x1024xf32, #tpu.memory_space<hbm>> -> memref<16x1024xf32, #tpu.memory_space<hbm>>
          %dma_wait3A_225 = tpu.memref_slice %arg11[%rem3A_156] : memref<3x!tpu.dma_semaphore, #tpu.memory_space<semaphore_mem>> -> memref<1x!tpu.dma_semaphore, #tpu.memory_space<semaphore_mem>>
          %dma_wait3A_226 = tpu.memref_squeeze %dma_wait3A_225 : memref<1x!tpu.dma_semaphore, #tpu.memory_space<semaphore_mem>> -> memref<!tpu.dma_semaphore, #tpu.memory_space<semaphore_mem>>
          %dma_wait3A_227 = arith.constant 0 : i32
          %dma_wait3A_228 = tpu.memref_slice %arg5[%add3A_218, %dma_wait3A_227] : memref<32768x1024xf32, #tpu.memory_space<hbm>> -> memref<16x1024xf32, #tpu.memory_space<hbm>>
          %dma_wait3A_229 = arith.constant 0 : i32
          %dma_wait3A_230 = arith.constant 0 : i32
          %dma_wait3A_231 = tpu.memref_slice %arg7[%rem3A_156, %dma_wait3A_229, %dma_wait3A_230] : memref<3x16x1024xf32, #tpu.memory_space<vmem>> -> memref<1x16x1024xf32, #tpu.memory_space<vmem>>
          %dma_wait3A_232 = tpu.memref_squeeze %dma_wait3A_231 : memref<1x16x1024xf32, #tpu.memory_space<vmem>> -> memref<16x1024xf32, #tpu.memory_space<vmem>>
          tpu.wait_dma2 semaphore(%dma_wait3A_226 : memref<!tpu.dma_semaphore, #tpu.memory_space<semaphore_mem>>) src(%dma_wait3A_232 : memref<16x1024xf32, #tpu.memory_space<vmem>>) dst(%dma_wait3A_228 : memref<16x1024xf32, #tpu.memory_space<hbm>>)
        } else {
        }
        %mul3A_186 = arith.constant 16 : i32
        %mul3A_187 = arith.muli %add3A_154, %mul3A_186 : i32
        %add3A_188 = arith.addi %mul3A_2, %mul3A_187 : i32
        %dma_start3A_189 = arith.constant 0 : i32
        %dma_start3A_190 = arith.constant 0 : i32
        %dma_start3A_191 = tpu.memref_slice %arg7[%rem3A_156, %dma_start3A_189, %dma_start3A_190] : memref<3x16x1024xf32, #tpu.memory_space<vmem>> -> memref<1x16x1024xf32, #tpu.memory_space<vmem>>
        %dma_start3A_192 = tpu.memref_squeeze %dma_start3A_191 : memref<1x16x1024xf32, #tpu.memory_space<vmem>> -> memref<16x1024xf32, #tpu.memory_space<vmem>>
        %dma_start3A_193 = arith.constant 0 : i32
        %dma_start3A_194 = tpu.memref_slice %arg2[%add3A_188, %dma_start3A_193] : memref<32768x1024xf32, #tpu.memory_space<hbm>> -> memref<16x1024xf32, #tpu.memory_space<hbm>>
        %dma_start3A_195 = tpu.memref_slice %arg9[%rem3A_156] : memref<3x!tpu.dma_semaphore, #tpu.memory_space<semaphore_mem>> -> memref<1x!tpu.dma_semaphore, #tpu.memory_space<semaphore_mem>>
        %dma_start3A_196 = tpu.memref_squeeze %dma_start3A_195 : memref<1x!tpu.dma_semaphore, #tpu.memory_space<semaphore_mem>> -> memref<!tpu.dma_semaphore, #tpu.memory_space<semaphore_mem>>
        %dma_start3A_197 = arith.constant 0 : i32
        %dma_start3A_198 = arith.constant 0 : i32
        %dma_start3A_199 = tpu.memref_slice %arg7[%rem3A_156, %dma_start3A_197, %dma_start3A_198] : memref<3x16x1024xf32, #tpu.memory_space<vmem>> -> memref<1x16x1024xf32, #tpu.memory_space<vmem>>
        %dma_start3A_200 = tpu.memref_squeeze %dma_start3A_199 : memref<1x16x1024xf32, #tpu.memory_space<vmem>> -> memref<16x1024xf32, #tpu.memory_space<vmem>>
        %dma_start3A_201 = arith.constant 0 : i32
        %dma_start3A_202 = tpu.memref_slice %arg2[%add3A_188, %dma_start3A_201] : memref<32768x1024xf32, #tpu.memory_space<hbm>> -> memref<16x1024xf32, #tpu.memory_space<hbm>>
        tpu.enqueue_dma source(%dma_start3A_202 : memref<16x1024xf32, #tpu.memory_space<hbm>>) target(%dma_start3A_200 : memref<16x1024xf32, #tpu.memory_space<vmem>>) target_semaphore(%dma_start3A_196 : memref<!tpu.dma_semaphore, #tpu.memory_space<semaphore_mem>>)
        %mul3A_203 = arith.constant 16 : i32
        %mul3A_204 = arith.muli %add3A_154, %mul3A_203 : i32
        %dma_start3A_205 = arith.constant 0 : i32
        %dma_start3A_206 = arith.constant 0 : i32
        %dma_start3A_207 = tpu.memref_slice %arg8[%rem3A_156, %dma_start3A_205, %dma_start3A_206] : memref<3x16x1024xf32, #tpu.memory_space<vmem>> -> memref<1x16x1024xf32, #tpu.memory_space<vmem>>
        %dma_start3A_208 = tpu.memref_squeeze %dma_start3A_207 : memref<1x16x1024xf32, #tpu.memory_space<vmem>> -> memref<16x1024xf32, #tpu.memory_space<vmem>>
        %dma_start3A_209 = tpu.memref_slice %arg6[%mul3A_204] : memref<1024xi32, #tpu.memory_space<vmem>> -> memref<16xi32, #tpu.memory_space<vmem>>
        %dma_start3A_210 = arith.constant 0 : i32
        %dma_start3A_211 = arith.constant 0 : i32
        %dma_start3A_212 = tpu.memref_slice %arg4[%dma_start3A_210, %dma_start3A_211] : memref<8192x1024xf32, #tpu.memory_space<hbm>> -> memref<8192x1024xf32, #tpu.memory_space<hbm>>
        %dma_start3A_213 = tpu.memref_slice %arg10[%rem3A_156] : memref<3x!tpu.dma_semaphore, #tpu.memory_space<semaphore_mem>> -> memref<1x!tpu.dma_semaphore, #tpu.memory_space<semaphore_mem>>
        %dma_start3A_214 = tpu.memref_squeeze %dma_start3A_213 : memref<1x!tpu.dma_semaphore, #tpu.memory_space<semaphore_mem>> -> memref<!tpu.dma_semaphore, #tpu.memory_space<semaphore_mem>>
        tpu.enqueue_indirect_dma source(%dma_start3A_212 : memref<8192x1024xf32, #tpu.memory_space<hbm>>) target(%dma_start3A_208 : memref<16x1024xf32, #tpu.memory_space<vmem>>) offsets(%dma_start3A_209 : memref<16xi32, #tpu.memory_space<vmem>>) semaphore(%dma_start3A_214 : memref<!tpu.dma_semaphore, #tpu.memory_space<semaphore_mem>>)
      } else {
      }
      %scan3A_159 = arith.constant 0 : i32
      %scan3A_160 = arith.constant 0 : i32
      %scan3A_161 = arith.constant 16 : i32
      %scan3A_162 = arith.addi %scan3A_160, %scan3A_161 : i32
      %scan3A_163 = arith.constant 1 : i32
      scf.for %scan3A_182 = %scan3A_160 to %scan3A_162 step %scan3A_163  : i32 {
        %get3A = arith.index_cast %rem3A_123 : i32 to index
        %get3A_183 = arith.index_cast %scan3A_182 : i32 to index
        %get3A_184 = arith.constant 0 : index
        %get3A_185 = tpu.vector_load %arg8[%get3A, %get3A_183, %get3A_184] {strides = array<i32>} : memref<3x16x1024xf32, #tpu.memory_space<vmem>>, vector<1x1x16xf32>,
        %get3A_186 = vector.shape_cast %get3A_185 : vector<1x1x16xf32> to vector<16xf32>
        %swap3A = arith.index_cast %rem3A_123 : i32 to index
        %swap3A_187 = arith.index_cast %scan3A_182 : i32 to index
        %swap3A_188 = arith.constant 0 : index
        %swap3A_189 = tpu.vector_load %arg7[%swap3A, %swap3A_187, %swap3A_188] {strides = array<i32>} : memref<3x16x1024xf32, #tpu.memory_space<vmem>>, vector<1x1x16xf32>,
        %swap3A_190 = vector.shape_cast %swap3A_189 : vector<1x1x16xf32> to vector<16xf32>
        %swap3A_191 = vector.shape_cast %get3A_186 : vector<16xf32> to vector<1x1x16xf32>
        tpu.vector_store %arg7[%swap3A, %swap3A_187, %swap3A_188], %swap3A_191 {add = true, strides = array<i32>} : memref<3x16x1024xf32, #tpu.memory_space<vmem>>, vector<1x1x16xf32>,
        %get3A_192 = arith.index_cast %rem3A_123 : i32 to index
        %get3A_193 = arith.index_cast %scan3A_182 : i32 to index
        %get3A_194 = arith.constant 16 : index
        %get3A_195 = tpu.vector_load %arg8[%get3A_192, %get3A_193, %get3A_194] {strides = array<i32>} : memref<3x16x1024xf32, #tpu.memory_space<vmem>>, vector<1x1x16xf32>,
        %get3A_196 = vector.shape_cast %get3A_195 : vector<1x1x16xf32> to vector<16xf32>
        %swap3A_197 = arith.index_cast %rem3A_123 : i32 to index
        %swap3A_198 = arith.index_cast %scan3A_182 : i32 to index
        %swap3A_199 = arith.constant 16 : index
        %swap3A_200 = tpu.vector_load %arg7[%swap3A_197, %swap3A_198, %swap3A_199] {strides = array<i32>} : memref<3x16x1024xf32, #tpu.memory_space<vmem>>, vector<1x1x16xf32>,
        %swap3A_201 = vector.shape_cast %swap3A_200 : vector<1x1x16xf32> to vector<16xf32>
        %swap3A_202 = vector.shape_cast %get3A_196 : vector<16xf32> to vector<1x1x16xf32>
        tpu.vector_store %arg7[%swap3A_197, %swap3A_198, %swap3A_199], %swap3A_202 {add = true, strides = array<i32>} : memref<3x16x1024xf32, #tpu.memory_space<vmem>>, vector<1x1x16xf32>,
        %get3A_203 = arith.index_cast %rem3A_123 : i32 to index
        %get3A_204 = arith.index_cast %scan3A_182 : i32 to index
        %get3A_205 = arith.constant 32 : index
        %get3A_206 = tpu.vector_load %arg8[%get3A_203, %get3A_204, %get3A_205] {strides = array<i32>} : memref<3x16x1024xf32, #tpu.memory_space<vmem>>, vector<1x1x16xf32>,
        %get3A_207 = vector.shape_cast %get3A_206 : vector<1x1x16xf32> to vector<16xf32>
        %swap3A_208 = arith.index_cast %rem3A_123 : i32 to index
        %swap3A_209 = arith.index_cast %scan3A_182 : i32 to index
        %swap3A_210 = arith.constant 32 : index
        %swap3A_211 = tpu.vector_load %arg7[%swap3A_208, %swap3A_209, %swap3A_210] {strides = array<i32>} : memref<3x16x1024xf32, #tpu.memory_space<vmem>>, vector<1x1x16xf32>,
        %swap3A_212 = vector.shape_cast %swap3A_211 : vector<1x1x16xf32> to vector<16xf32>
        %swap3A_213 = vector.shape_cast %get3A_207 : vector<16xf32> to vector<1x1x16xf32>
        tpu.vector_store %arg7[%swap3A_208, %swap3A_209, %swap3A_210], %swap3A_213 {add = true, strides = array<i32>} : memref<3x16x1024xf32, #tpu.memory_space<vmem>>, vector<1x1x16xf32>,
        %get3A_214 = arith.index_cast %rem3A_123 : i32 to index
        %get3A_215 = arith.index_cast %scan3A_182 : i32 to index
        %get3A_216 = arith.constant 48 : index
        %get3A_217 = tpu.vector_load %arg8[%get3A_214, %get3A_215, %get3A_216] {strides = array<i32>} : memref<3x16x1024xf32, #tpu.memory_space<vmem>>, vector<1x1x16xf32>,
        %get3A_218 = vector.shape_cast %get3A_217 : vector<1x1x16xf32> to vector<16xf32>
        %swap3A_219 = arith.index_cast %rem3A_123 : i32 to index
        %swap3A_220 = arith.index_cast %scan3A_182 : i32 to index
        %swap3A_221 = arith.constant 48 : index
        %swap3A_222 = tpu.vector_load %arg7[%swap3A_219, %swap3A_220, %swap3A_221] {strides = array<i32>} : memref<3x16x1024xf32, #tpu.memory_space<vmem>>, vector<1x1x16xf32>,
        %swap3A_223 = vector.shape_cast %swap3A_222 : vector<1x1x16xf32> to vector<16xf32>
        %swap3A_224 = vector.shape_cast %get3A_218 : vector<16xf32> to vector<1x1x16xf32>
        tpu.vector_store %arg7[%swap3A_219, %swap3A_220, %swap3A_221], %swap3A_224 {add = true, strides = array<i32>} : memref<3x16x1024xf32, #tpu.memory_space<vmem>>, vector<1x1x16xf32>,
        %get3A_225 = arith.index_cast %rem3A_123 : i32 to index
        %get3A_226 = arith.index_cast %scan3A_182 : i32 to index
        %get3A_227 = arith.constant 64 : index
        %get3A_228 = tpu.vector_load %arg8[%get3A_225, %get3A_226, %get3A_227] {strides = array<i32>} : memref<3x16x1024xf32, #tpu.memory_space<vmem>>, vector<1x1x16xf32>,
        %get3A_229 = vector.shape_cast %get3A_228 : vector<1x1x16xf32> to vector<16xf32>
        %swap3A_230 = arith.index_cast %rem3A_123 : i32 to index
        %swap3A_231 = arith.index_cast %scan3A_182 : i32 to index
        %swap3A_232 = arith.constant 64 : index
        %swap3A_233 = tpu.vector_load %arg7[%swap3A_230, %swap3A_231, %swap3A_232] {strides = array<i32>} : memref<3x16x1024xf32, #tpu.memory_space<vmem>>, vector<1x1x16xf32>,
        %swap3A_234 = vector.shape_cast %swap3A_233 : vector<1x1x16xf32> to vector<16xf32>
        %swap3A_235 = vector.shape_cast %get3A_229 : vector<16xf32> to vector<1x1x16xf32>
        tpu.vector_store %arg7[%swap3A_230, %swap3A_231, %swap3A_232], %swap3A_235 {add = true, strides = array<i32>} : memref<3x16x1024xf32, #tpu.memory_space<vmem>>, vector<1x1x16xf32>,
        %get3A_236 = arith.index_cast %rem3A_123 : i32 to index
        %get3A_237 = arith.index_cast %scan3A_182 : i32 to index
        %get3A_238 = arith.constant 80 : index
        %get3A_239 = tpu.vector_load %arg8[%get3A_236, %get3A_237, %get3A_238] {strides = array<i32>} : memref<3x16x1024xf32, #tpu.memory_space<vmem>>, vector<1x1x16xf32>,
        %get3A_240 = vector.shape_cast %get3A_239 : vector<1x1x16xf32> to vector<16xf32>
        %swap3A_241 = arith.index_cast %rem3A_123 : i32 to index
        %swap3A_242 = arith.index_cast %scan3A_182 : i32 to index
        %swap3A_243 = arith.constant 80 : index
        %swap3A_244 = tpu.vector_load %arg7[%swap3A_241, %swap3A_242, %swap3A_243] {strides = array<i32>} : memref<3x16x1024xf32, #tpu.memory_space<vmem>>, vector<1x1x16xf32>,
        %swap3A_245 = vector.shape_cast %swap3A_244 : vector<1x1x16xf32> to vector<16xf32>
        %swap3A_246 = vector.shape_cast %get3A_240 : vector<16xf32> to vector<1x1x16xf32>
        tpu.vector_store %arg7[%swap3A_241, %swap3A_242, %swap3A_243], %swap3A_246 {add = true, strides = array<i32>} : memref<3x16x1024xf32, #tpu.memory_space<vmem>>, vector<1x1x16xf32>,
        %get3A_247 = arith.index_cast %rem3A_123 : i32 to index
        %get3A_248 = arith.index_cast %scan3A_182 : i32 to index
        %get3A_249 = arith.constant 96 : index
        %get3A_250 = tpu.vector_load %arg8[%get3A_247, %get3A_248, %get3A_249] {strides = array<i32>} : memref<3x16x1024xf32, #tpu.memory_space<vmem>>, vector<1x1x16xf32>,
        %get3A_251 = vector.shape_cast %get3A_250 : vector<1x1x16xf32> to vector<16xf32>
        %swap3A_252 = arith.index_cast %rem3A_123 : i32 to index
        %swap3A_253 = arith.index_cast %scan3A_182 : i32 to index
        %swap3A_254 = arith.constant 96 : index
        %swap3A_255 = tpu.vector_load %arg7[%swap3A_252, %swap3A_253, %swap3A_254] {strides = array<i32>} : memref<3x16x1024xf32, #tpu.memory_space<vmem>>, vector<1x1x16xf32>,
        %swap3A_256 = vector.shape_cast %swap3A_255 : vector<1x1x16xf32> to vector<16xf32>
        %swap3A_257 = vector.shape_cast %get3A_251 : vector<16xf32> to vector<1x1x16xf32>
        tpu.vector_store %arg7[%swap3A_252, %swap3A_253, %swap3A_254], %swap3A_257 {add = true, strides = array<i32>} : memref<3x16x1024xf32, #tpu.memory_space<vmem>>, vector<1x1x16xf32>,
        %get3A_258 = arith.index_cast %rem3A_123 : i32 to index
        %get3A_259 = arith.index_cast %scan3A_182 : i32 to index
        %get3A_260 = arith.constant 112 : index
        %get3A_261 = tpu.vector_load %arg8[%get3A_258, %get3A_259, %get3A_260] {strides = array<i32>} : memref<3x16x1024xf32, #tpu.memory_space<vmem>>, vector<1x1x16xf32>,
        %get3A_262 = vector.shape_cast %get3A_261 : vector<1x1x16xf32> to vector<16xf32>
        %swap3A_263 = arith.index_cast %rem3A_123 : i32 to index
        %swap3A_264 = arith.index_cast %scan3A_182 : i32 to index
        %swap3A_265 = arith.constant 112 : index
        %swap3A_266 = tpu.vector_load %arg7[%swap3A_263, %swap3A_264, %swap3A_265] {strides = array<i32>} : memref<3x16x1024xf32, #tpu.memory_space<vmem>>, vector<1x1x16xf32>,
        %swap3A_267 = vector.shape_cast %swap3A_266 : vector<1x1x16xf32> to vector<16xf32>
        %swap3A_268 = vector.shape_cast %get3A_262 : vector<16xf32> to vector<1x1x16xf32>
        tpu.vector_store %arg7[%swap3A_263, %swap3A_264, %swap3A_265], %swap3A_268 {add = true, strides = array<i32>} : memref<3x16x1024xf32, #tpu.memory_space<vmem>>, vector<1x1x16xf32>,
        %get3A_269 = arith.index_cast %rem3A_123 : i32 to index
        %get3A_270 = arith.index_cast %scan3A_182 : i32 to index
        %get3A_271 = arith.constant 128 : index
        %get3A_272 = tpu.vector_load %arg8[%get3A_269, %get3A_270, %get3A_271] {strides = array<i32>} : memref<3x16x1024xf32, #tpu.memory_space<vmem>>, vector<1x1x16xf32>,
        %get3A_273 = vector.shape_cast %get3A_272 : vector<1x1x16xf32> to vector<16xf32>
        %swap3A_274 = arith.index_cast %rem3A_123 : i32 to index
        %swap3A_275 = arith.index_cast %scan3A_182 : i32 to index
        %swap3A_276 = arith.constant 128 : index
        %swap3A_277 = tpu.vector_load %arg7[%swap3A_274, %swap3A_275, %swap3A_276] {strides = array<i32>} : memref<3x16x1024xf32, #tpu.memory_space<vmem>>, vector<1x1x16xf32>,
        %swap3A_278 = vector.shape_cast %swap3A_277 : vector<1x1x16xf32> to vector<16xf32>
        %swap3A_279 = vector.shape_cast %get3A_273 : vector<16xf32> to vector<1x1x16xf32>
        tpu.vector_store %arg7[%swap3A_274, %swap3A_275, %swap3A_276], %swap3A_279 {add = true, strides = array<i32>} : memref<3x16x1024xf32, #tpu.memory_space<vmem>>, vector<1x1x16xf32>,
        %get3A_280 = arith.index_cast %rem3A_123 : i32 to index
        %get3A_281 = arith.index_cast %scan3A_182 : i32 to index
        %get3A_282 = arith.constant 144 : index
        %get3A_283 = tpu.vector_load %arg8[%get3A_280, %get3A_281, %get3A_282] {strides = array<i32>} : memref<3x16x1024xf32, #tpu.memory_space<vmem>>, vector<1x1x16xf32>,
        %get3A_284 = vector.shape_cast %get3A_283 : vector<1x1x16xf32> to vector<16xf32>
        %swap3A_285 = arith.index_cast %rem3A_123 : i32 to index
        %swap3A_286 = arith.index_cast %scan3A_182 : i32 to index
        %swap3A_287 = arith.constant 144 : index
        %swap3A_288 = tpu.vector_load %arg7[%swap3A_285, %swap3A_286, %swap3A_287] {strides = array<i32>} : memref<3x16x1024xf32, #tpu.memory_space<vmem>>, vector<1x1x16xf32>,
        %swap3A_289 = vector.shape_cast %swap3A_288 : vector<1x1x16xf32> to vector<16xf32>
        %swap3A_290 = vector.shape_cast %get3A_284 : vector<16xf32> to vector<1x1x16xf32>
        tpu.vector_store %arg7[%swap3A_285, %swap3A_286, %swap3A_287], %swap3A_290 {add = true, strides = array<i32>} : memref<3x16x1024xf32, #tpu.memory_space<vmem>>, vector<1x1x16xf32>,
        %get3A_291 = arith.index_cast %rem3A_123 : i32 to index
        %get3A_292 = arith.index_cast %scan3A_182 : i32 to index
        %get3A_293 = arith.constant 160 : index
        %get3A_294 = tpu.vector_load %arg8[%get3A_291, %get3A_292, %get3A_293] {strides = array<i32>} : memref<3x16x1024xf32, #tpu.memory_space<vmem>>, vector<1x1x16xf32>,
        %get3A_295 = vector.shape_cast %get3A_294 : vector<1x1x16xf32> to vector<16xf32>
        %swap3A_296 = arith.index_cast %rem3A_123 : i32 to index
        %swap3A_297 = arith.index_cast %scan3A_182 : i32 to index
        %swap3A_298 = arith.constant 160 : index
        %swap3A_299 = tpu.vector_load %arg7[%swap3A_296, %swap3A_297, %swap3A_298] {strides = array<i32>} : memref<3x16x1024xf32, #tpu.memory_space<vmem>>, vector<1x1x16xf32>,
        %swap3A_300 = vector.shape_cast %swap3A_299 : vector<1x1x16xf32> to vector<16xf32>
        %swap3A_301 = vector.shape_cast %get3A_295 : vector<16xf32> to vector<1x1x16xf32>
        tpu.vector_store %arg7[%swap3A_296, %swap3A_297, %swap3A_298], %swap3A_301 {add = true, strides = array<i32>} : memref<3x16x1024xf32, #tpu.memory_space<vmem>>, vector<1x1x16xf32>,
        %get3A_302 = arith.index_cast %rem3A_123 : i32 to index
        %get3A_303 = arith.index_cast %scan3A_182 : i32 to index
        %get3A_304 = arith.constant 176 : index
        %get3A_305 = tpu.vector_load %arg8[%get3A_302, %get3A_303, %get3A_304] {strides = array<i32>} : memref<3x16x1024xf32, #tpu.memory_space<vmem>>, vector<1x1x16xf32>,
        %get3A_306 = vector.shape_cast %get3A_305 : vector<1x1x16xf32> to vector<16xf32>
        %swap3A_307 = arith.index_cast %rem3A_123 : i32 to index
        %swap3A_308 = arith.index_cast %scan3A_182 : i32 to index
        %swap3A_309 = arith.constant 176 : index
        %swap3A_310 = tpu.vector_load %arg7[%swap3A_307, %swap3A_308, %swap3A_309] {strides = array<i32>} : memref<3x16x1024xf32, #tpu.memory_space<vmem>>, vector<1x1x16xf32>,
        %swap3A_311 = vector.shape_cast %swap3A_310 : vector<1x1x16xf32> to vector<16xf32>
        %swap3A_312 = vector.shape_cast %get3A_306 : vector<16xf32> to vector<1x1x16xf32>
        tpu.vector_store %arg7[%swap3A_307, %swap3A_308, %swap3A_309], %swap3A_312 {add = true, strides = array<i32>} : memref<3x16x1024xf32, #tpu.memory_space<vmem>>, vector<1x1x16xf32>,
        %get3A_313 = arith.index_cast %rem3A_123 : i32 to index
        %get3A_314 = arith.index_cast %scan3A_182 : i32 to index
        %get3A_315 = arith.constant 192 : index
        %get3A_316 = tpu.vector_load %arg8[%get3A_313, %get3A_314, %get3A_315] {strides = array<i32>} : memref<3x16x1024xf32, #tpu.memory_space<vmem>>, vector<1x1x16xf32>,
        %get3A_317 = vector.shape_cast %get3A_316 : vector<1x1x16xf32> to vector<16xf32>
        %swap3A_318 = arith.index_cast %rem3A_123 : i32 to index
        %swap3A_319 = arith.index_cast %scan3A_182 : i32 to index
        %swap3A_320 = arith.constant 192 : index
        %swap3A_321 = tpu.vector_load %arg7[%swap3A_318, %swap3A_319, %swap3A_320] {strides = array<i32>} : memref<3x16x1024xf32, #tpu.memory_space<vmem>>, vector<1x1x16xf32>,
        %swap3A_322 = vector.shape_cast %swap3A_321 : vector<1x1x16xf32> to vector<16xf32>
        %swap3A_323 = vector.shape_cast %get3A_317 : vector<16xf32> to vector<1x1x16xf32>
        tpu.vector_store %arg7[%swap3A_318, %swap3A_319, %swap3A_320], %swap3A_323 {add = true, strides = array<i32>} : memref<3x16x1024xf32, #tpu.memory_space<vmem>>, vector<1x1x16xf32>,
        %get3A_324 = arith.index_cast %rem3A_123 : i32 to index
        %get3A_325 = arith.index_cast %scan3A_182 : i32 to index
        %get3A_326 = arith.constant 208 : index
        %get3A_327 = tpu.vector_load %arg8[%get3A_324, %get3A_325, %get3A_326] {strides = array<i32>} : memref<3x16x1024xf32, #tpu.memory_space<vmem>>, vector<1x1x16xf32>,
        %get3A_328 = vector.shape_cast %get3A_327 : vector<1x1x16xf32> to vector<16xf32>
        %swap3A_329 = arith.index_cast %rem3A_123 : i32 to index
        %swap3A_330 = arith.index_cast %scan3A_182 : i32 to index
        %swap3A_331 = arith.constant 208 : index
        %swap3A_332 = tpu.vector_load %arg7[%swap3A_329, %swap3A_330, %swap3A_331] {strides = array<i32>} : memref<3x16x1024xf32, #tpu.memory_space<vmem>>, vector<1x1x16xf32>,
        %swap3A_333 = vector.shape_cast %swap3A_332 : vector<1x1x16xf32> to vector<16xf32>
        %swap3A_334 = vector.shape_cast %get3A_328 : vector<16xf32> to vector<1x1x16xf32>
        tpu.vector_store %arg7[%swap3A_329, %swap3A_330, %swap3A_331], %swap3A_334 {add = true, strides = array<i32>} : memref<3x16x1024xf32, #tpu.memory_space<vmem>>, vector<1x1x16xf32>,
        %get3A_335 = arith.index_cast %rem3A_123 : i32 to index
        %get3A_336 = arith.index_cast %scan3A_182 : i32 to index
        %get3A_337 = arith.constant 224 : index
        %get3A_338 = tpu.vector_load %arg8[%get3A_335, %get3A_336, %get3A_337] {strides = array<i32>} : memref<3x16x1024xf32, #tpu.memory_space<vmem>>, vector<1x1x16xf32>,
        %get3A_339 = vector.shape_cast %get3A_338 : vector<1x1x16xf32> to vector<16xf32>
        %swap3A_340 = arith.index_cast %rem3A_123 : i32 to index
        %swap3A_341 = arith.index_cast %scan3A_182 : i32 to index
        %swap3A_342 = arith.constant 224 : index
        %swap3A_343 = tpu.vector_load %arg7[%swap3A_340, %swap3A_341, %swap3A_342] {strides = array<i32>} : memref<3x16x1024xf32, #tpu.memory_space<vmem>>, vector<1x1x16xf32>,
        %swap3A_344 = vector.shape_cast %swap3A_343 : vector<1x1x16xf32> to vector<16xf32>
        %swap3A_345 = vector.shape_cast %get3A_339 : vector<16xf32> to vector<1x1x16xf32>
        tpu.vector_store %arg7[%swap3A_340, %swap3A_341, %swap3A_342], %swap3A_345 {add = true, strides = array<i32>} : memref<3x16x1024xf32, #tpu.memory_space<vmem>>, vector<1x1x16xf32>,
        %get3A_346 = arith.index_cast %rem3A_123 : i32 to index
        %get3A_347 = arith.index_cast %scan3A_182 : i32 to index
        %get3A_348 = arith.constant 240 : index
        %get3A_349 = tpu.vector_load %arg8[%get3A_346, %get3A_347, %get3A_348] {strides = array<i32>} : memref<3x16x1024xf32, #tpu.memory_space<vmem>>, vector<1x1x16xf32>,
        %get3A_350 = vector.shape_cast %get3A_349 : vector<1x1x16xf32> to vector<16xf32>
        %swap3A_351 = arith.index_cast %rem3A_123 : i32 to index
        %swap3A_352 = arith.index_cast %scan3A_182 : i32 to index
        %swap3A_353 = arith.constant 240 : index
        %swap3A_354 = tpu.vector_load %arg7[%swap3A_351, %swap3A_352, %swap3A_353] {strides = array<i32>} : memref<3x16x1024xf32, #tpu.memory_space<vmem>>, vector<1x1x16xf32>,
        %swap3A_355 = vector.shape_cast %swap3A_354 : vector<1x1x16xf32> to vector<16xf32>
        %swap3A_356 = vector.shape_cast %get3A_350 : vector<16xf32> to vector<1x1x16xf32>
        tpu.vector_store %arg7[%swap3A_351, %swap3A_352, %swap3A_353], %swap3A_356 {add = true, strides = array<i32>} : memref<3x16x1024xf32, #tpu.memory_space<vmem>>, vector<1x1x16xf32>,
        %get3A_357 = arith.index_cast %rem3A_123 : i32 to index
        %get3A_358 = arith.index_cast %scan3A_182 : i32 to index
        %get3A_359 = arith.constant 256 : index
        %get3A_360 = tpu.vector_load %arg8[%get3A_357, %get3A_358, %get3A_359] {strides = array<i32>} : memref<3x16x1024xf32, #tpu.memory_space<vmem>>, vector<1x1x16xf32>,
        %get3A_361 = vector.shape_cast %get3A_360 : vector<1x1x16xf32> to vector<16xf32>
        %swap3A_362 = arith.index_cast %rem3A_123 : i32 to index
        %swap3A_363 = arith.index_cast %scan3A_182 : i32 to index
        %swap3A_364 = arith.constant 256 : index
        %swap3A_365 = tpu.vector_load %arg7[%swap3A_362, %swap3A_363, %swap3A_364] {strides = array<i32>} : memref<3x16x1024xf32, #tpu.memory_space<vmem>>, vector<1x1x16xf32>,
        %swap3A_366 = vector.shape_cast %swap3A_365 : vector<1x1x16xf32> to vector<16xf32>
        %swap3A_367 = vector.shape_cast %get3A_361 : vector<16xf32> to vector<1x1x16xf32>
        tpu.vector_store %arg7[%swap3A_362, %swap3A_363, %swap3A_364], %swap3A_367 {add = true, strides = array<i32>} : memref<3x16x1024xf32, #tpu.memory_space<vmem>>, vector<1x1x16xf32>,
        %get3A_368 = arith.index_cast %rem3A_123 : i32 to index
        %get3A_369 = arith.index_cast %scan3A_182 : i32 to index
        %get3A_370 = arith.constant 272 : index
        %get3A_371 = tpu.vector_load %arg8[%get3A_368, %get3A_369, %get3A_370] {strides = array<i32>} : memref<3x16x1024xf32, #tpu.memory_space<vmem>>, vector<1x1x16xf32>,
        %get3A_372 = vector.shape_cast %get3A_371 : vector<1x1x16xf32> to vector<16xf32>
        %swap3A_373 = arith.index_cast %rem3A_123 : i32 to index
        %swap3A_374 = arith.index_cast %scan3A_182 : i32 to index
        %swap3A_375 = arith.constant 272 : index
        %swap3A_376 = tpu.vector_load %arg7[%swap3A_373, %swap3A_374, %swap3A_375] {strides = array<i32>} : memref<3x16x1024xf32, #tpu.memory_space<vmem>>, vector<1x1x16xf32>,
        %swap3A_377 = vector.shape_cast %swap3A_376 : vector<1x1x16xf32> to vector<16xf32>
        %swap3A_378 = vector.shape_cast %get3A_372 : vector<16xf32> to vector<1x1x16xf32>
        tpu.vector_store %arg7[%swap3A_373, %swap3A_374, %swap3A_375], %swap3A_378 {add = true, strides = array<i32>} : memref<3x16x1024xf32, #tpu.memory_space<vmem>>, vector<1x1x16xf32>,
        %get3A_379 = arith.index_cast %rem3A_123 : i32 to index
        %get3A_380 = arith.index_cast %scan3A_182 : i32 to index
        %get3A_381 = arith.constant 288 : index
        %get3A_382 = tpu.vector_load %arg8[%get3A_379, %get3A_380, %get3A_381] {strides = array<i32>} : memref<3x16x1024xf32, #tpu.memory_space<vmem>>, vector<1x1x16xf32>,
        %get3A_383 = vector.shape_cast %get3A_382 : vector<1x1x16xf32> to vector<16xf32>
        %swap3A_384 = arith.index_cast %rem3A_123 : i32 to index
        %swap3A_385 = arith.index_cast %scan3A_182 : i32 to index
        %swap3A_386 = arith.constant 288 : index
        %swap3A_387 = tpu.vector_load %arg7[%swap3A_384, %swap3A_385, %swap3A_386] {strides = array<i32>} : memref<3x16x1024xf32, #tpu.memory_space<vmem>>, vector<1x1x16xf32>,
        %swap3A_388 = vector.shape_cast %swap3A_387 : vector<1x1x16xf32> to vector<16xf32>
        %swap3A_389 = vector.shape_cast %get3A_383 : vector<16xf32> to vector<1x1x16xf32>
        tpu.vector_store %arg7[%swap3A_384, %swap3A_385, %swap3A_386], %swap3A_389 {add = true, strides = array<i32>} : memref<3x16x1024xf32, #tpu.memory_space<vmem>>, vector<1x1x16xf32>,
        %get3A_390 = arith.index_cast %rem3A_123 : i32 to index
        %get3A_391 = arith.index_cast %scan3A_182 : i32 to index
        %get3A_392 = arith.constant 304 : index
        %get3A_393 = tpu.vector_load %arg8[%get3A_390, %get3A_391, %get3A_392] {strides = array<i32>} : memref<3x16x1024xf32, #tpu.memory_space<vmem>>, vector<1x1x16xf32>,
        %get3A_394 = vector.shape_cast %get3A_393 : vector<1x1x16xf32> to vector<16xf32>
        %swap3A_395 = arith.index_cast %rem3A_123 : i32 to index
        %swap3A_396 = arith.index_cast %scan3A_182 : i32 to index
        %swap3A_397 = arith.constant 304 : index
        %swap3A_398 = tpu.vector_load %arg7[%swap3A_395, %swap3A_396, %swap3A_397] {strides = array<i32>} : memref<3x16x1024xf32, #tpu.memory_space<vmem>>, vector<1x1x16xf32>,
        %swap3A_399 = vector.shape_cast %swap3A_398 : vector<1x1x16xf32> to vector<16xf32>
        %swap3A_400 = vector.shape_cast %get3A_394 : vector<16xf32> to vector<1x1x16xf32>
        tpu.vector_store %arg7[%swap3A_395, %swap3A_396, %swap3A_397], %swap3A_400 {add = true, strides = array<i32>} : memref<3x16x1024xf32, #tpu.memory_space<vmem>>, vector<1x1x16xf32>,
        %get3A_401 = arith.index_cast %rem3A_123 : i32 to index
        %get3A_402 = arith.index_cast %scan3A_182 : i32 to index
        %get3A_403 = arith.constant 320 : index
        %get3A_404 = tpu.vector_load %arg8[%get3A_401, %get3A_402, %get3A_403] {strides = array<i32>} : memref<3x16x1024xf32, #tpu.memory_space<vmem>>, vector<1x1x16xf32>,
        %get3A_405 = vector.shape_cast %get3A_404 : vector<1x1x16xf32> to vector<16xf32>
        %swap3A_406 = arith.index_cast %rem3A_123 : i32 to index
        %swap3A_407 = arith.index_cast %scan3A_182 : i32 to index
        %swap3A_408 = arith.constant 320 : index
        %swap3A_409 = tpu.vector_load %arg7[%swap3A_406, %swap3A_407, %swap3A_408] {strides = array<i32>} : memref<3x16x1024xf32, #tpu.memory_space<vmem>>, vector<1x1x16xf32>,
        %swap3A_410 = vector.shape_cast %swap3A_409 : vector<1x1x16xf32> to vector<16xf32>
        %swap3A_411 = vector.shape_cast %get3A_405 : vector<16xf32> to vector<1x1x16xf32>
        tpu.vector_store %arg7[%swap3A_406, %swap3A_407, %swap3A_408], %swap3A_411 {add = true, strides = array<i32>} : memref<3x16x1024xf32, #tpu.memory_space<vmem>>, vector<1x1x16xf32>,
        %get3A_412 = arith.index_cast %rem3A_123 : i32 to index
        %get3A_413 = arith.index_cast %scan3A_182 : i32 to index
        %get3A_414 = arith.constant 336 : index
        %get3A_415 = tpu.vector_load %arg8[%get3A_412, %get3A_413, %get3A_414] {strides = array<i32>} : memref<3x16x1024xf32, #tpu.memory_space<vmem>>, vector<1x1x16xf32>,
        %get3A_416 = vector.shape_cast %get3A_415 : vector<1x1x16xf32> to vector<16xf32>
        %swap3A_417 = arith.index_cast %rem3A_123 : i32 to index
        %swap3A_418 = arith.index_cast %scan3A_182 : i32 to index
        %swap3A_419 = arith.constant 336 : index
        %swap3A_420 = tpu.vector_load %arg7[%swap3A_417, %swap3A_418, %swap3A_419] {strides = array<i32>} : memref<3x16x1024xf32, #tpu.memory_space<vmem>>, vector<1x1x16xf32>,
        %swap3A_421 = vector.shape_cast %swap3A_420 : vector<1x1x16xf32> to vector<16xf32>
        %swap3A_422 = vector.shape_cast %get3A_416 : vector<16xf32> to vector<1x1x16xf32>
        tpu.vector_store %arg7[%swap3A_417, %swap3A_418, %swap3A_419], %swap3A_422 {add = true, strides = array<i32>} : memref<3x16x1024xf32, #tpu.memory_space<vmem>>, vector<1x1x16xf32>,
        %get3A_423 = arith.index_cast %rem3A_123 : i32 to index
        %get3A_424 = arith.index_cast %scan3A_182 : i32 to index
        %get3A_425 = arith.constant 352 : index
        %get3A_426 = tpu.vector_load %arg8[%get3A_423, %get3A_424, %get3A_425] {strides = array<i32>} : memref<3x16x1024xf32, #tpu.memory_space<vmem>>, vector<1x1x16xf32>,
        %get3A_427 = vector.shape_cast %get3A_426 : vector<1x1x16xf32> to vector<16xf32>
        %swap3A_428 = arith.index_cast %rem3A_123 : i32 to index
        %swap3A_429 = arith.index_cast %scan3A_182 : i32 to index
        %swap3A_430 = arith.constant 352 : index
        %swap3A_431 = tpu.vector_load %arg7[%swap3A_428, %swap3A_429, %swap3A_430] {strides = array<i32>} : memref<3x16x1024xf32, #tpu.memory_space<vmem>>, vector<1x1x16xf32>,
        %swap3A_432 = vector.shape_cast %swap3A_431 : vector<1x1x16xf32> to vector<16xf32>
        %swap3A_433 = vector.shape_cast %get3A_427 : vector<16xf32> to vector<1x1x16xf32>
        tpu.vector_store %arg7[%swap3A_428, %swap3A_429, %swap3A_430], %swap3A_433 {add = true, strides = array<i32>} : memref<3x16x1024xf32, #tpu.memory_space<vmem>>, vector<1x1x16xf32>,
        %get3A_434 = arith.index_cast %rem3A_123 : i32 to index
        %get3A_435 = arith.index_cast %scan3A_182 : i32 to index
        %get3A_436 = arith.constant 368 : index
        %get3A_437 = tpu.vector_load %arg8[%get3A_434, %get3A_435, %get3A_436] {strides = array<i32>} : memref<3x16x1024xf32, #tpu.memory_space<vmem>>, vector<1x1x16xf32>,
        %get3A_438 = vector.shape_cast %get3A_437 : vector<1x1x16xf32> to vector<16xf32>
        %swap3A_439 = arith.index_cast %rem3A_123 : i32 to index
        %swap3A_440 = arith.index_cast %scan3A_182 : i32 to index
        %swap3A_441 = arith.constant 368 : index
        %swap3A_442 = tpu.vector_load %arg7[%swap3A_439, %swap3A_440, %swap3A_441] {strides = array<i32>} : memref<3x16x1024xf32, #tpu.memory_space<vmem>>, vector<1x1x16xf32>,
        %swap3A_443 = vector.shape_cast %swap3A_442 : vector<1x1x16xf32> to vector<16xf32>
        %swap3A_444 = vector.shape_cast %get3A_438 : vector<16xf32> to vector<1x1x16xf32>
        tpu.vector_store %arg7[%swap3A_439, %swap3A_440, %swap3A_441], %swap3A_444 {add = true, strides = array<i32>} : memref<3x16x1024xf32, #tpu.memory_space<vmem>>, vector<1x1x16xf32>,
        %get3A_445 = arith.index_cast %rem3A_123 : i32 to index
        %get3A_446 = arith.index_cast %scan3A_182 : i32 to index
        %get3A_447 = arith.constant 384 : index
        %get3A_448 = tpu.vector_load %arg8[%get3A_445, %get3A_446, %get3A_447] {strides = array<i32>} : memref<3x16x1024xf32, #tpu.memory_space<vmem>>, vector<1x1x16xf32>,
        %get3A_449 = vector.shape_cast %get3A_448 : vector<1x1x16xf32> to vector<16xf32>
        %swap3A_450 = arith.index_cast %rem3A_123 : i32 to index
        %swap3A_451 = arith.index_cast %scan3A_182 : i32 to index
        %swap3A_452 = arith.constant 384 : index
        %swap3A_453 = tpu.vector_load %arg7[%swap3A_450, %swap3A_451, %swap3A_452] {strides = array<i32>} : memref<3x16x1024xf32, #tpu.memory_space<vmem>>, vector<1x1x16xf32>,
        %swap3A_454 = vector.shape_cast %swap3A_453 : vector<1x1x16xf32> to vector<16xf32>
        %swap3A_455 = vector.shape_cast %get3A_449 : vector<16xf32> to vector<1x1x16xf32>
        tpu.vector_store %arg7[%swap3A_450, %swap3A_451, %swap3A_452], %swap3A_455 {add = true, strides = array<i32>} : memref<3x16x1024xf32, #tpu.memory_space<vmem>>, vector<1x1x16xf32>,
        %get3A_456 = arith.index_cast %rem3A_123 : i32 to index
        %get3A_457 = arith.index_cast %scan3A_182 : i32 to index
        %get3A_458 = arith.constant 400 : index
        %get3A_459 = tpu.vector_load %arg8[%get3A_456, %get3A_457, %get3A_458] {strides = array<i32>} : memref<3x16x1024xf32, #tpu.memory_space<vmem>>, vector<1x1x16xf32>,
        %get3A_460 = vector.shape_cast %get3A_459 : vector<1x1x16xf32> to vector<16xf32>
        %swap3A_461 = arith.index_cast %rem3A_123 : i32 to index
        %swap3A_462 = arith.index_cast %scan3A_182 : i32 to index
        %swap3A_463 = arith.constant 400 : index
        %swap3A_464 = tpu.vector_load %arg7[%swap3A_461, %swap3A_462, %swap3A_463] {strides = array<i32>} : memref<3x16x1024xf32, #tpu.memory_space<vmem>>, vector<1x1x16xf32>,
        %swap3A_465 = vector.shape_cast %swap3A_464 : vector<1x1x16xf32> to vector<16xf32>
        %swap3A_466 = vector.shape_cast %get3A_460 : vector<16xf32> to vector<1x1x16xf32>
        tpu.vector_store %arg7[%swap3A_461, %swap3A_462, %swap3A_463], %swap3A_466 {add = true, strides = array<i32>} : memref<3x16x1024xf32, #tpu.memory_space<vmem>>, vector<1x1x16xf32>,
        %get3A_467 = arith.index_cast %rem3A_123 : i32 to index
        %get3A_468 = arith.index_cast %scan3A_182 : i32 to index
        %get3A_469 = arith.constant 416 : index
        %get3A_470 = tpu.vector_load %arg8[%get3A_467, %get3A_468, %get3A_469] {strides = array<i32>} : memref<3x16x1024xf32, #tpu.memory_space<vmem>>, vector<1x1x16xf32>,
        %get3A_471 = vector.shape_cast %get3A_470 : vector<1x1x16xf32> to vector<16xf32>
        %swap3A_472 = arith.index_cast %rem3A_123 : i32 to index
        %swap3A_473 = arith.index_cast %scan3A_182 : i32 to index
        %swap3A_474 = arith.constant 416 : index
        %swap3A_475 = tpu.vector_load %arg7[%swap3A_472, %swap3A_473, %swap3A_474] {strides = array<i32>} : memref<3x16x1024xf32, #tpu.memory_space<vmem>>, vector<1x1x16xf32>,
        %swap3A_476 = vector.shape_cast %swap3A_475 : vector<1x1x16xf32> to vector<16xf32>
        %swap3A_477 = vector.shape_cast %get3A_471 : vector<16xf32> to vector<1x1x16xf32>
        tpu.vector_store %arg7[%swap3A_472, %swap3A_473, %swap3A_474], %swap3A_477 {add = true, strides = array<i32>} : memref<3x16x1024xf32, #tpu.memory_space<vmem>>, vector<1x1x16xf32>,
        %get3A_478 = arith.index_cast %rem3A_123 : i32 to index
        %get3A_479 = arith.index_cast %scan3A_182 : i32 to index
        %get3A_480 = arith.constant 432 : index
        %get3A_481 = tpu.vector_load %arg8[%get3A_478, %get3A_479, %get3A_480] {strides = array<i32>} : memref<3x16x1024xf32, #tpu.memory_space<vmem>>, vector<1x1x16xf32>,
        %get3A_482 = vector.shape_cast %get3A_481 : vector<1x1x16xf32> to vector<16xf32>
        %swap3A_483 = arith.index_cast %rem3A_123 : i32 to index
        %swap3A_484 = arith.index_cast %scan3A_182 : i32 to index
        %swap3A_485 = arith.constant 432 : index
        %swap3A_486 = tpu.vector_load %arg7[%swap3A_483, %swap3A_484, %swap3A_485] {strides = array<i32>} : memref<3x16x1024xf32, #tpu.memory_space<vmem>>, vector<1x1x16xf32>,
        %swap3A_487 = vector.shape_cast %swap3A_486 : vector<1x1x16xf32> to vector<16xf32>
        %swap3A_488 = vector.shape_cast %get3A_482 : vector<16xf32> to vector<1x1x16xf32>
        tpu.vector_store %arg7[%swap3A_483, %swap3A_484, %swap3A_485], %swap3A_488 {add = true, strides = array<i32>} : memref<3x16x1024xf32, #tpu.memory_space<vmem>>, vector<1x1x16xf32>,
        %get3A_489 = arith.index_cast %rem3A_123 : i32 to index
        %get3A_490 = arith.index_cast %scan3A_182 : i32 to index
        %get3A_491 = arith.constant 448 : index
        %get3A_492 = tpu.vector_load %arg8[%get3A_489, %get3A_490, %get3A_491] {strides = array<i32>} : memref<3x16x1024xf32, #tpu.memory_space<vmem>>, vector<1x1x16xf32>,
        %get3A_493 = vector.shape_cast %get3A_492 : vector<1x1x16xf32> to vector<16xf32>
        %swap3A_494 = arith.index_cast %rem3A_123 : i32 to index
        %swap3A_495 = arith.index_cast %scan3A_182 : i32 to index
        %swap3A_496 = arith.constant 448 : index
        %swap3A_497 = tpu.vector_load %arg7[%swap3A_494, %swap3A_495, %swap3A_496] {strides = array<i32>} : memref<3x16x1024xf32, #tpu.memory_space<vmem>>, vector<1x1x16xf32>,
        %swap3A_498 = vector.shape_cast %swap3A_497 : vector<1x1x16xf32> to vector<16xf32>
        %swap3A_499 = vector.shape_cast %get3A_493 : vector<16xf32> to vector<1x1x16xf32>
        tpu.vector_store %arg7[%swap3A_494, %swap3A_495, %swap3A_496], %swap3A_499 {add = true, strides = array<i32>} : memref<3x16x1024xf32, #tpu.memory_space<vmem>>, vector<1x1x16xf32>,
        %get3A_500 = arith.index_cast %rem3A_123 : i32 to index
        %get3A_501 = arith.index_cast %scan3A_182 : i32 to index
        %get3A_502 = arith.constant 464 : index
        %get3A_503 = tpu.vector_load %arg8[%get3A_500, %get3A_501, %get3A_502] {strides = array<i32>} : memref<3x16x1024xf32, #tpu.memory_space<vmem>>, vector<1x1x16xf32>,
        %get3A_504 = vector.shape_cast %get3A_503 : vector<1x1x16xf32> to vector<16xf32>
        %swap3A_505 = arith.index_cast %rem3A_123 : i32 to index
        %swap3A_506 = arith.index_cast %scan3A_182 : i32 to index
        %swap3A_507 = arith.constant 464 : index
        %swap3A_508 = tpu.vector_load %arg7[%swap3A_505, %swap3A_506, %swap3A_507] {strides = array<i32>} : memref<3x16x1024xf32, #tpu.memory_space<vmem>>, vector<1x1x16xf32>,
        %swap3A_509 = vector.shape_cast %swap3A_508 : vector<1x1x16xf32> to vector<16xf32>
        %swap3A_510 = vector.shape_cast %get3A_504 : vector<16xf32> to vector<1x1x16xf32>
        tpu.vector_store %arg7[%swap3A_505, %swap3A_506, %swap3A_507], %swap3A_510 {add = true, strides = array<i32>} : memref<3x16x1024xf32, #tpu.memory_space<vmem>>, vector<1x1x16xf32>,
        %get3A_511 = arith.index_cast %rem3A_123 : i32 to index
        %get3A_512 = arith.index_cast %scan3A_182 : i32 to index
        %get3A_513 = arith.constant 480 : index
        %get3A_514 = tpu.vector_load %arg8[%get3A_511, %get3A_512, %get3A_513] {strides = array<i32>} : memref<3x16x1024xf32, #tpu.memory_space<vmem>>, vector<1x1x16xf32>,
        %get3A_515 = vector.shape_cast %get3A_514 : vector<1x1x16xf32> to vector<16xf32>
        %swap3A_516 = arith.index_cast %rem3A_123 : i32 to index
        %swap3A_517 = arith.index_cast %scan3A_182 : i32 to index
        %swap3A_518 = arith.constant 480 : index
        %swap3A_519 = tpu.vector_load %arg7[%swap3A_516, %swap3A_517, %swap3A_518] {strides = array<i32>} : memref<3x16x1024xf32, #tpu.memory_space<vmem>>, vector<1x1x16xf32>,
        %swap3A_520 = vector.shape_cast %swap3A_519 : vector<1x1x16xf32> to vector<16xf32>
        %swap3A_521 = vector.shape_cast %get3A_515 : vector<16xf32> to vector<1x1x16xf32>
        tpu.vector_store %arg7[%swap3A_516, %swap3A_517, %swap3A_518], %swap3A_521 {add = true, strides = array<i32>} : memref<3x16x1024xf32, #tpu.memory_space<vmem>>, vector<1x1x16xf32>,
        %get3A_522 = arith.index_cast %rem3A_123 : i32 to index
        %get3A_523 = arith.index_cast %scan3A_182 : i32 to index
        %get3A_524 = arith.constant 496 : index
        %get3A_525 = tpu.vector_load %arg8[%get3A_522, %get3A_523, %get3A_524] {strides = array<i32>} : memref<3x16x1024xf32, #tpu.memory_space<vmem>>, vector<1x1x16xf32>,
        %get3A_526 = vector.shape_cast %get3A_525 : vector<1x1x16xf32> to vector<16xf32>
        %swap3A_527 = arith.index_cast %rem3A_123 : i32 to index
        %swap3A_528 = arith.index_cast %scan3A_182 : i32 to index
        %swap3A_529 = arith.constant 496 : index
        %swap3A_530 = tpu.vector_load %arg7[%swap3A_527, %swap3A_528, %swap3A_529] {strides = array<i32>} : memref<3x16x1024xf32, #tpu.memory_space<vmem>>, vector<1x1x16xf32>,
        %swap3A_531 = vector.shape_cast %swap3A_530 : vector<1x1x16xf32> to vector<16xf32>
        %swap3A_532 = vector.shape_cast %get3A_526 : vector<16xf32> to vector<1x1x16xf32>
        tpu.vector_store %arg7[%swap3A_527, %swap3A_528, %swap3A_529], %swap3A_532 {add = true, strides = array<i32>} : memref<3x16x1024xf32, #tpu.memory_space<vmem>>, vector<1x1x16xf32>,
        %get3A_533 = arith.index_cast %rem3A_123 : i32 to index
        %get3A_534 = arith.index_cast %scan3A_182 : i32 to index
        %get3A_535 = arith.constant 512 : index
        %get3A_536 = tpu.vector_load %arg8[%get3A_533, %get3A_534, %get3A_535] {strides = array<i32>} : memref<3x16x1024xf32, #tpu.memory_space<vmem>>, vector<1x1x16xf32>,
        %get3A_537 = vector.shape_cast %get3A_536 : vector<1x1x16xf32> to vector<16xf32>
        %swap3A_538 = arith.index_cast %rem3A_123 : i32 to index
        %swap3A_539 = arith.index_cast %scan3A_182 : i32 to index
        %swap3A_540 = arith.constant 512 : index
        %swap3A_541 = tpu.vector_load %arg7[%swap3A_538, %swap3A_539, %swap3A_540] {strides = array<i32>} : memref<3x16x1024xf32, #tpu.memory_space<vmem>>, vector<1x1x16xf32>,
        %swap3A_542 = vector.shape_cast %swap3A_541 : vector<1x1x16xf32> to vector<16xf32>
        %swap3A_543 = vector.shape_cast %get3A_537 : vector<16xf32> to vector<1x1x16xf32>
        tpu.vector_store %arg7[%swap3A_538, %swap3A_539, %swap3A_540], %swap3A_543 {add = true, strides = array<i32>} : memref<3x16x1024xf32, #tpu.memory_space<vmem>>, vector<1x1x16xf32>,
        %get3A_544 = arith.index_cast %rem3A_123 : i32 to index
        %get3A_545 = arith.index_cast %scan3A_182 : i32 to index
        %get3A_546 = arith.constant 528 : index
        %get3A_547 = tpu.vector_load %arg8[%get3A_544, %get3A_545, %get3A_546] {strides = array<i32>} : memref<3x16x1024xf32, #tpu.memory_space<vmem>>, vector<1x1x16xf32>,
        %get3A_548 = vector.shape_cast %get3A_547 : vector<1x1x16xf32> to vector<16xf32>
        %swap3A_549 = arith.index_cast %rem3A_123 : i32 to index
        %swap3A_550 = arith.index_cast %scan3A_182 : i32 to index
        %swap3A_551 = arith.constant 528 : index
        %swap3A_552 = tpu.vector_load %arg7[%swap3A_549, %swap3A_550, %swap3A_551] {strides = array<i32>} : memref<3x16x1024xf32, #tpu.memory_space<vmem>>, vector<1x1x16xf32>,
        %swap3A_553 = vector.shape_cast %swap3A_552 : vector<1x1x16xf32> to vector<16xf32>
        %swap3A_554 = vector.shape_cast %get3A_548 : vector<16xf32> to vector<1x1x16xf32>
        tpu.vector_store %arg7[%swap3A_549, %swap3A_550, %swap3A_551], %swap3A_554 {add = true, strides = array<i32>} : memref<3x16x1024xf32, #tpu.memory_space<vmem>>, vector<1x1x16xf32>,
        %get3A_555 = arith.index_cast %rem3A_123 : i32 to index
        %get3A_556 = arith.index_cast %scan3A_182 : i32 to index
        %get3A_557 = arith.constant 544 : index
        %get3A_558 = tpu.vector_load %arg8[%get3A_555, %get3A_556, %get3A_557] {strides = array<i32>} : memref<3x16x1024xf32, #tpu.memory_space<vmem>>, vector<1x1x16xf32>,
        %get3A_559 = vector.shape_cast %get3A_558 : vector<1x1x16xf32> to vector<16xf32>
        %swap3A_560 = arith.index_cast %rem3A_123 : i32 to index
        %swap3A_561 = arith.index_cast %scan3A_182 : i32 to index
        %swap3A_562 = arith.constant 544 : index
        %swap3A_563 = tpu.vector_load %arg7[%swap3A_560, %swap3A_561, %swap3A_562] {strides = array<i32>} : memref<3x16x1024xf32, #tpu.memory_space<vmem>>, vector<1x1x16xf32>,
        %swap3A_564 = vector.shape_cast %swap3A_563 : vector<1x1x16xf32> to vector<16xf32>
        %swap3A_565 = vector.shape_cast %get3A_559 : vector<16xf32> to vector<1x1x16xf32>
        tpu.vector_store %arg7[%swap3A_560, %swap3A_561, %swap3A_562], %swap3A_565 {add = true, strides = array<i32>} : memref<3x16x1024xf32, #tpu.memory_space<vmem>>, vector<1x1x16xf32>,
        %get3A_566 = arith.index_cast %rem3A_123 : i32 to index
        %get3A_567 = arith.index_cast %scan3A_182 : i32 to index
        %get3A_568 = arith.constant 560 : index
        %get3A_569 = tpu.vector_load %arg8[%get3A_566, %get3A_567, %get3A_568] {strides = array<i32>} : memref<3x16x1024xf32, #tpu.memory_space<vmem>>, vector<1x1x16xf32>,
        %get3A_570 = vector.shape_cast %get3A_569 : vector<1x1x16xf32> to vector<16xf32>
        %swap3A_571 = arith.index_cast %rem3A_123 : i32 to index
        %swap3A_572 = arith.index_cast %scan3A_182 : i32 to index
        %swap3A_573 = arith.constant 560 : index
        %swap3A_574 = tpu.vector_load %arg7[%swap3A_571, %swap3A_572, %swap3A_573] {strides = array<i32>} : memref<3x16x1024xf32, #tpu.memory_space<vmem>>, vector<1x1x16xf32>,
        %swap3A_575 = vector.shape_cast %swap3A_574 : vector<1x1x16xf32> to vector<16xf32>
        %swap3A_576 = vector.shape_cast %get3A_570 : vector<16xf32> to vector<1x1x16xf32>
        tpu.vector_store %arg7[%swap3A_571, %swap3A_572, %swap3A_573], %swap3A_576 {add = true, strides = array<i32>} : memref<3x16x1024xf32, #tpu.memory_space<vmem>>, vector<1x1x16xf32>,
        %get3A_577 = arith.index_cast %rem3A_123 : i32 to index
        %get3A_578 = arith.index_cast %scan3A_182 : i32 to index
        %get3A_579 = arith.constant 576 : index
        %get3A_580 = tpu.vector_load %arg8[%get3A_577, %get3A_578, %get3A_579] {strides = array<i32>} : memref<3x16x1024xf32, #tpu.memory_space<vmem>>, vector<1x1x16xf32>,
        %get3A_581 = vector.shape_cast %get3A_580 : vector<1x1x16xf32> to vector<16xf32>
        %swap3A_582 = arith.index_cast %rem3A_123 : i32 to index
        %swap3A_583 = arith.index_cast %scan3A_182 : i32 to index
        %swap3A_584 = arith.constant 576 : index
        %swap3A_585 = tpu.vector_load %arg7[%swap3A_582, %swap3A_583, %swap3A_584] {strides = array<i32>} : memref<3x16x1024xf32, #tpu.memory_space<vmem>>, vector<1x1x16xf32>,
        %swap3A_586 = vector.shape_cast %swap3A_585 : vector<1x1x16xf32> to vector<16xf32>
        %swap3A_587 = vector.shape_cast %get3A_581 : vector<16xf32> to vector<1x1x16xf32>
        tpu.vector_store %arg7[%swap3A_582, %swap3A_583, %swap3A_584], %swap3A_587 {add = true, strides = array<i32>} : memref<3x16x1024xf32, #tpu.memory_space<vmem>>, vector<1x1x16xf32>,
        %get3A_588 = arith.index_cast %rem3A_123 : i32 to index
        %get3A_589 = arith.index_cast %scan3A_182 : i32 to index
        %get3A_590 = arith.constant 592 : index
        %get3A_591 = tpu.vector_load %arg8[%get3A_588, %get3A_589, %get3A_590] {strides = array<i32>} : memref<3x16x1024xf32, #tpu.memory_space<vmem>>, vector<1x1x16xf32>,
        %get3A_592 = vector.shape_cast %get3A_591 : vector<1x1x16xf32> to vector<16xf32>
        %swap3A_593 = arith.index_cast %rem3A_123 : i32 to index
        %swap3A_594 = arith.index_cast %scan3A_182 : i32 to index
        %swap3A_595 = arith.constant 592 : index
        %swap3A_596 = tpu.vector_load %arg7[%swap3A_593, %swap3A_594, %swap3A_595] {strides = array<i32>} : memref<3x16x1024xf32, #tpu.memory_space<vmem>>, vector<1x1x16xf32>,
        %swap3A_597 = vector.shape_cast %swap3A_596 : vector<1x1x16xf32> to vector<16xf32>
        %swap3A_598 = vector.shape_cast %get3A_592 : vector<16xf32> to vector<1x1x16xf32>
        tpu.vector_store %arg7[%swap3A_593, %swap3A_594, %swap3A_595], %swap3A_598 {add = true, strides = array<i32>} : memref<3x16x1024xf32, #tpu.memory_space<vmem>>, vector<1x1x16xf32>,
        %get3A_599 = arith.index_cast %rem3A_123 : i32 to index
        %get3A_600 = arith.index_cast %scan3A_182 : i32 to index
        %get3A_601 = arith.constant 608 : index
        %get3A_602 = tpu.vector_load %arg8[%get3A_599, %get3A_600, %get3A_601] {strides = array<i32>} : memref<3x16x1024xf32, #tpu.memory_space<vmem>>, vector<1x1x16xf32>,
        %get3A_603 = vector.shape_cast %get3A_602 : vector<1x1x16xf32> to vector<16xf32>
        %swap3A_604 = arith.index_cast %rem3A_123 : i32 to index
        %swap3A_605 = arith.index_cast %scan3A_182 : i32 to index
        %swap3A_606 = arith.constant 608 : index
        %swap3A_607 = tpu.vector_load %arg7[%swap3A_604, %swap3A_605, %swap3A_606] {strides = array<i32>} : memref<3x16x1024xf32, #tpu.memory_space<vmem>>, vector<1x1x16xf32>,
        %swap3A_608 = vector.shape_cast %swap3A_607 : vector<1x1x16xf32> to vector<16xf32>
        %swap3A_609 = vector.shape_cast %get3A_603 : vector<16xf32> to vector<1x1x16xf32>
        tpu.vector_store %arg7[%swap3A_604, %swap3A_605, %swap3A_606], %swap3A_609 {add = true, strides = array<i32>} : memref<3x16x1024xf32, #tpu.memory_space<vmem>>, vector<1x1x16xf32>,
        %get3A_610 = arith.index_cast %rem3A_123 : i32 to index
        %get3A_611 = arith.index_cast %scan3A_182 : i32 to index
        %get3A_612 = arith.constant 624 : index
        %get3A_613 = tpu.vector_load %arg8[%get3A_610, %get3A_611, %get3A_612] {strides = array<i32>} : memref<3x16x1024xf32, #tpu.memory_space<vmem>>, vector<1x1x16xf32>,
        %get3A_614 = vector.shape_cast %get3A_613 : vector<1x1x16xf32> to vector<16xf32>
        %swap3A_615 = arith.index_cast %rem3A_123 : i32 to index
        %swap3A_616 = arith.index_cast %scan3A_182 : i32 to index
        %swap3A_617 = arith.constant 624 : index
        %swap3A_618 = tpu.vector_load %arg7[%swap3A_615, %swap3A_616, %swap3A_617] {strides = array<i32>} : memref<3x16x1024xf32, #tpu.memory_space<vmem>>, vector<1x1x16xf32>,
        %swap3A_619 = vector.shape_cast %swap3A_618 : vector<1x1x16xf32> to vector<16xf32>
        %swap3A_620 = vector.shape_cast %get3A_614 : vector<16xf32> to vector<1x1x16xf32>
        tpu.vector_store %arg7[%swap3A_615, %swap3A_616, %swap3A_617], %swap3A_620 {add = true, strides = array<i32>} : memref<3x16x1024xf32, #tpu.memory_space<vmem>>, vector<1x1x16xf32>,
        %get3A_621 = arith.index_cast %rem3A_123 : i32 to index
        %get3A_622 = arith.index_cast %scan3A_182 : i32 to index
        %get3A_623 = arith.constant 640 : index
        %get3A_624 = tpu.vector_load %arg8[%get3A_621, %get3A_622, %get3A_623] {strides = array<i32>} : memref<3x16x1024xf32, #tpu.memory_space<vmem>>, vector<1x1x16xf32>,
        %get3A_625 = vector.shape_cast %get3A_624 : vector<1x1x16xf32> to vector<16xf32>
        %swap3A_626 = arith.index_cast %rem3A_123 : i32 to index
        %swap3A_627 = arith.index_cast %scan3A_182 : i32 to index
        %swap3A_628 = arith.constant 640 : index
        %swap3A_629 = tpu.vector_load %arg7[%swap3A_626, %swap3A_627, %swap3A_628] {strides = array<i32>} : memref<3x16x1024xf32, #tpu.memory_space<vmem>>, vector<1x1x16xf32>,
        %swap3A_630 = vector.shape_cast %swap3A_629 : vector<1x1x16xf32> to vector<16xf32>
        %swap3A_631 = vector.shape_cast %get3A_625 : vector<16xf32> to vector<1x1x16xf32>
        tpu.vector_store %arg7[%swap3A_626, %swap3A_627, %swap3A_628], %swap3A_631 {add = true, strides = array<i32>} : memref<3x16x1024xf32, #tpu.memory_space<vmem>>, vector<1x1x16xf32>,
        %get3A_632 = arith.index_cast %rem3A_123 : i32 to index
        %get3A_633 = arith.index_cast %scan3A_182 : i32 to index
        %get3A_634 = arith.constant 656 : index
        %get3A_635 = tpu.vector_load %arg8[%get3A_632, %get3A_633, %get3A_634] {strides = array<i32>} : memref<3x16x1024xf32, #tpu.memory_space<vmem>>, vector<1x1x16xf32>,
        %get3A_636 = vector.shape_cast %get3A_635 : vector<1x1x16xf32> to vector<16xf32>
        %swap3A_637 = arith.index_cast %rem3A_123 : i32 to index
        %swap3A_638 = arith.index_cast %scan3A_182 : i32 to index
        %swap3A_639 = arith.constant 656 : index
        %swap3A_640 = tpu.vector_load %arg7[%swap3A_637, %swap3A_638, %swap3A_639] {strides = array<i32>} : memref<3x16x1024xf32, #tpu.memory_space<vmem>>, vector<1x1x16xf32>,
        %swap3A_641 = vector.shape_cast %swap3A_640 : vector<1x1x16xf32> to vector<16xf32>
        %swap3A_642 = vector.shape_cast %get3A_636 : vector<16xf32> to vector<1x1x16xf32>
        tpu.vector_store %arg7[%swap3A_637, %swap3A_638, %swap3A_639], %swap3A_642 {add = true, strides = array<i32>} : memref<3x16x1024xf32, #tpu.memory_space<vmem>>, vector<1x1x16xf32>,
        %get3A_643 = arith.index_cast %rem3A_123 : i32 to index
        %get3A_644 = arith.index_cast %scan3A_182 : i32 to index
        %get3A_645 = arith.constant 672 : index
        %get3A_646 = tpu.vector_load %arg8[%get3A_643, %get3A_644, %get3A_645] {strides = array<i32>} : memref<3x16x1024xf32, #tpu.memory_space<vmem>>, vector<1x1x16xf32>,
        %get3A_647 = vector.shape_cast %get3A_646 : vector<1x1x16xf32> to vector<16xf32>
        %swap3A_648 = arith.index_cast %rem3A_123 : i32 to index
        %swap3A_649 = arith.index_cast %scan3A_182 : i32 to index
        %swap3A_650 = arith.constant 672 : index
        %swap3A_651 = tpu.vector_load %arg7[%swap3A_648, %swap3A_649, %swap3A_650] {strides = array<i32>} : memref<3x16x1024xf32, #tpu.memory_space<vmem>>, vector<1x1x16xf32>,
        %swap3A_652 = vector.shape_cast %swap3A_651 : vector<1x1x16xf32> to vector<16xf32>
        %swap3A_653 = vector.shape_cast %get3A_647 : vector<16xf32> to vector<1x1x16xf32>
        tpu.vector_store %arg7[%swap3A_648, %swap3A_649, %swap3A_650], %swap3A_653 {add = true, strides = array<i32>} : memref<3x16x1024xf32, #tpu.memory_space<vmem>>, vector<1x1x16xf32>,
        %get3A_654 = arith.index_cast %rem3A_123 : i32 to index
        %get3A_655 = arith.index_cast %scan3A_182 : i32 to index
        %get3A_656 = arith.constant 688 : index
        %get3A_657 = tpu.vector_load %arg8[%get3A_654, %get3A_655, %get3A_656] {strides = array<i32>} : memref<3x16x1024xf32, #tpu.memory_space<vmem>>, vector<1x1x16xf32>,
        %get3A_658 = vector.shape_cast %get3A_657 : vector<1x1x16xf32> to vector<16xf32>
        %swap3A_659 = arith.index_cast %rem3A_123 : i32 to index
        %swap3A_660 = arith.index_cast %scan3A_182 : i32 to index
        %swap3A_661 = arith.constant 688 : index
        %swap3A_662 = tpu.vector_load %arg7[%swap3A_659, %swap3A_660, %swap3A_661] {strides = array<i32>} : memref<3x16x1024xf32, #tpu.memory_space<vmem>>, vector<1x1x16xf32>,
        %swap3A_663 = vector.shape_cast %swap3A_662 : vector<1x1x16xf32> to vector<16xf32>
        %swap3A_664 = vector.shape_cast %get3A_658 : vector<16xf32> to vector<1x1x16xf32>
        tpu.vector_store %arg7[%swap3A_659, %swap3A_660, %swap3A_661], %swap3A_664 {add = true, strides = array<i32>} : memref<3x16x1024xf32, #tpu.memory_space<vmem>>, vector<1x1x16xf32>,
        %get3A_665 = arith.index_cast %rem3A_123 : i32 to index
        %get3A_666 = arith.index_cast %scan3A_182 : i32 to index
        %get3A_667 = arith.constant 704 : index
        %get3A_668 = tpu.vector_load %arg8[%get3A_665, %get3A_666, %get3A_667] {strides = array<i32>} : memref<3x16x1024xf32, #tpu.memory_space<vmem>>, vector<1x1x16xf32>,
        %get3A_669 = vector.shape_cast %get3A_668 : vector<1x1x16xf32> to vector<16xf32>
        %swap3A_670 = arith.index_cast %rem3A_123 : i32 to index
        %swap3A_671 = arith.index_cast %scan3A_182 : i32 to index
        %swap3A_672 = arith.constant 704 : index
        %swap3A_673 = tpu.vector_load %arg7[%swap3A_670, %swap3A_671, %swap3A_672] {strides = array<i32>} : memref<3x16x1024xf32, #tpu.memory_space<vmem>>, vector<1x1x16xf32>,
        %swap3A_674 = vector.shape_cast %swap3A_673 : vector<1x1x16xf32> to vector<16xf32>
        %swap3A_675 = vector.shape_cast %get3A_669 : vector<16xf32> to vector<1x1x16xf32>
        tpu.vector_store %arg7[%swap3A_670, %swap3A_671, %swap3A_672], %swap3A_675 {add = true, strides = array<i32>} : memref<3x16x1024xf32, #tpu.memory_space<vmem>>, vector<1x1x16xf32>,
        %get3A_676 = arith.index_cast %rem3A_123 : i32 to index
        %get3A_677 = arith.index_cast %scan3A_182 : i32 to index
        %get3A_678 = arith.constant 720 : index
        %get3A_679 = tpu.vector_load %arg8[%get3A_676, %get3A_677, %get3A_678] {strides = array<i32>} : memref<3x16x1024xf32, #tpu.memory_space<vmem>>, vector<1x1x16xf32>,
        %get3A_680 = vector.shape_cast %get3A_679 : vector<1x1x16xf32> to vector<16xf32>
        %swap3A_681 = arith.index_cast %rem3A_123 : i32 to index
        %swap3A_682 = arith.index_cast %scan3A_182 : i32 to index
        %swap3A_683 = arith.constant 720 : index
        %swap3A_684 = tpu.vector_load %arg7[%swap3A_681, %swap3A_682, %swap3A_683] {strides = array<i32>} : memref<3x16x1024xf32, #tpu.memory_space<vmem>>, vector<1x1x16xf32>,
        %swap3A_685 = vector.shape_cast %swap3A_684 : vector<1x1x16xf32> to vector<16xf32>
        %swap3A_686 = vector.shape_cast %get3A_680 : vector<16xf32> to vector<1x1x16xf32>
        tpu.vector_store %arg7[%swap3A_681, %swap3A_682, %swap3A_683], %swap3A_686 {add = true, strides = array<i32>} : memref<3x16x1024xf32, #tpu.memory_space<vmem>>, vector<1x1x16xf32>,
        %get3A_687 = arith.index_cast %rem3A_123 : i32 to index
        %get3A_688 = arith.index_cast %scan3A_182 : i32 to index
        %get3A_689 = arith.constant 736 : index
        %get3A_690 = tpu.vector_load %arg8[%get3A_687, %get3A_688, %get3A_689] {strides = array<i32>} : memref<3x16x1024xf32, #tpu.memory_space<vmem>>, vector<1x1x16xf32>,
        %get3A_691 = vector.shape_cast %get3A_690 : vector<1x1x16xf32> to vector<16xf32>
        %swap3A_692 = arith.index_cast %rem3A_123 : i32 to index
        %swap3A_693 = arith.index_cast %scan3A_182 : i32 to index
        %swap3A_694 = arith.constant 736 : index
        %swap3A_695 = tpu.vector_load %arg7[%swap3A_692, %swap3A_693, %swap3A_694] {strides = array<i32>} : memref<3x16x1024xf32, #tpu.memory_space<vmem>>, vector<1x1x16xf32>,
        %swap3A_696 = vector.shape_cast %swap3A_695 : vector<1x1x16xf32> to vector<16xf32>
        %swap3A_697 = vector.shape_cast %get3A_691 : vector<16xf32> to vector<1x1x16xf32>
        tpu.vector_store %arg7[%swap3A_692, %swap3A_693, %swap3A_694], %swap3A_697 {add = true, strides = array<i32>} : memref<3x16x1024xf32, #tpu.memory_space<vmem>>, vector<1x1x16xf32>,
        %get3A_698 = arith.index_cast %rem3A_123 : i32 to index
        %get3A_699 = arith.index_cast %scan3A_182 : i32 to index
        %get3A_700 = arith.constant 752 : index
        %get3A_701 = tpu.vector_load %arg8[%get3A_698, %get3A_699, %get3A_700] {strides = array<i32>} : memref<3x16x1024xf32, #tpu.memory_space<vmem>>, vector<1x1x16xf32>,
        %get3A_702 = vector.shape_cast %get3A_701 : vector<1x1x16xf32> to vector<16xf32>
        %swap3A_703 = arith.index_cast %rem3A_123 : i32 to index
        %swap3A_704 = arith.index_cast %scan3A_182 : i32 to index
        %swap3A_705 = arith.constant 752 : index
        %swap3A_706 = tpu.vector_load %arg7[%swap3A_703, %swap3A_704, %swap3A_705] {strides = array<i32>} : memref<3x16x1024xf32, #tpu.memory_space<vmem>>, vector<1x1x16xf32>,
        %swap3A_707 = vector.shape_cast %swap3A_706 : vector<1x1x16xf32> to vector<16xf32>
        %swap3A_708 = vector.shape_cast %get3A_702 : vector<16xf32> to vector<1x1x16xf32>
        tpu.vector_store %arg7[%swap3A_703, %swap3A_704, %swap3A_705], %swap3A_708 {add = true, strides = array<i32>} : memref<3x16x1024xf32, #tpu.memory_space<vmem>>, vector<1x1x16xf32>,
        %get3A_709 = arith.index_cast %rem3A_123 : i32 to index
        %get3A_710 = arith.index_cast %scan3A_182 : i32 to index
        %get3A_711 = arith.constant 768 : index
        %get3A_712 = tpu.vector_load %arg8[%get3A_709, %get3A_710, %get3A_711] {strides = array<i32>} : memref<3x16x1024xf32, #tpu.memory_space<vmem>>, vector<1x1x16xf32>,
        %get3A_713 = vector.shape_cast %get3A_712 : vector<1x1x16xf32> to vector<16xf32>
        %swap3A_714 = arith.index_cast %rem3A_123 : i32 to index
        %swap3A_715 = arith.index_cast %scan3A_182 : i32 to index
        %swap3A_716 = arith.constant 768 : index
        %swap3A_717 = tpu.vector_load %arg7[%swap3A_714, %swap3A_715, %swap3A_716] {strides = array<i32>} : memref<3x16x1024xf32, #tpu.memory_space<vmem>>, vector<1x1x16xf32>,
        %swap3A_718 = vector.shape_cast %swap3A_717 : vector<1x1x16xf32> to vector<16xf32>
        %swap3A_719 = vector.shape_cast %get3A_713 : vector<16xf32> to vector<1x1x16xf32>
        tpu.vector_store %arg7[%swap3A_714, %swap3A_715, %swap3A_716], %swap3A_719 {add = true, strides = array<i32>} : memref<3x16x1024xf32, #tpu.memory_space<vmem>>, vector<1x1x16xf32>,
        %get3A_720 = arith.index_cast %rem3A_123 : i32 to index
        %get3A_721 = arith.index_cast %scan3A_182 : i32 to index
        %get3A_722 = arith.constant 784 : index
        %get3A_723 = tpu.vector_load %arg8[%get3A_720, %get3A_721, %get3A_722] {strides = array<i32>} : memref<3x16x1024xf32, #tpu.memory_space<vmem>>, vector<1x1x16xf32>,
        %get3A_724 = vector.shape_cast %get3A_723 : vector<1x1x16xf32> to vector<16xf32>
        %swap3A_725 = arith.index_cast %rem3A_123 : i32 to index
        %swap3A_726 = arith.index_cast %scan3A_182 : i32 to index
        %swap3A_727 = arith.constant 784 : index
        %swap3A_728 = tpu.vector_load %arg7[%swap3A_725, %swap3A_726, %swap3A_727] {strides = array<i32>} : memref<3x16x1024xf32, #tpu.memory_space<vmem>>, vector<1x1x16xf32>,
        %swap3A_729 = vector.shape_cast %swap3A_728 : vector<1x1x16xf32> to vector<16xf32>
        %swap3A_730 = vector.shape_cast %get3A_724 : vector<16xf32> to vector<1x1x16xf32>
        tpu.vector_store %arg7[%swap3A_725, %swap3A_726, %swap3A_727], %swap3A_730 {add = true, strides = array<i32>} : memref<3x16x1024xf32, #tpu.memory_space<vmem>>, vector<1x1x16xf32>,
        %get3A_731 = arith.index_cast %rem3A_123 : i32 to index
        %get3A_732 = arith.index_cast %scan3A_182 : i32 to index
        %get3A_733 = arith.constant 800 : index
        %get3A_734 = tpu.vector_load %arg8[%get3A_731, %get3A_732, %get3A_733] {strides = array<i32>} : memref<3x16x1024xf32, #tpu.memory_space<vmem>>, vector<1x1x16xf32>,
        %get3A_735 = vector.shape_cast %get3A_734 : vector<1x1x16xf32> to vector<16xf32>
        %swap3A_736 = arith.index_cast %rem3A_123 : i32 to index
        %swap3A_737 = arith.index_cast %scan3A_182 : i32 to index
        %swap3A_738 = arith.constant 800 : index
        %swap3A_739 = tpu.vector_load %arg7[%swap3A_736, %swap3A_737, %swap3A_738] {strides = array<i32>} : memref<3x16x1024xf32, #tpu.memory_space<vmem>>, vector<1x1x16xf32>,
        %swap3A_740 = vector.shape_cast %swap3A_739 : vector<1x1x16xf32> to vector<16xf32>
        %swap3A_741 = vector.shape_cast %get3A_735 : vector<16xf32> to vector<1x1x16xf32>
        tpu.vector_store %arg7[%swap3A_736, %swap3A_737, %swap3A_738], %swap3A_741 {add = true, strides = array<i32>} : memref<3x16x1024xf32, #tpu.memory_space<vmem>>, vector<1x1x16xf32>,
        %get3A_742 = arith.index_cast %rem3A_123 : i32 to index
        %get3A_743 = arith.index_cast %scan3A_182 : i32 to index
        %get3A_744 = arith.constant 816 : index
        %get3A_745 = tpu.vector_load %arg8[%get3A_742, %get3A_743, %get3A_744] {strides = array<i32>} : memref<3x16x1024xf32, #tpu.memory_space<vmem>>, vector<1x1x16xf32>,
        %get3A_746 = vector.shape_cast %get3A_745 : vector<1x1x16xf32> to vector<16xf32>
        %swap3A_747 = arith.index_cast %rem3A_123 : i32 to index
        %swap3A_748 = arith.index_cast %scan3A_182 : i32 to index
        %swap3A_749 = arith.constant 816 : index
        %swap3A_750 = tpu.vector_load %arg7[%swap3A_747, %swap3A_748, %swap3A_749] {strides = array<i32>} : memref<3x16x1024xf32, #tpu.memory_space<vmem>>, vector<1x1x16xf32>,
        %swap3A_751 = vector.shape_cast %swap3A_750 : vector<1x1x16xf32> to vector<16xf32>
        %swap3A_752 = vector.shape_cast %get3A_746 : vector<16xf32> to vector<1x1x16xf32>
        tpu.vector_store %arg7[%swap3A_747, %swap3A_748, %swap3A_749], %swap3A_752 {add = true, strides = array<i32>} : memref<3x16x1024xf32, #tpu.memory_space<vmem>>, vector<1x1x16xf32>,
        %get3A_753 = arith.index_cast %rem3A_123 : i32 to index
        %get3A_754 = arith.index_cast %scan3A_182 : i32 to index
        %get3A_755 = arith.constant 832 : index
        %get3A_756 = tpu.vector_load %arg8[%get3A_753, %get3A_754, %get3A_755] {strides = array<i32>} : memref<3x16x1024xf32, #tpu.memory_space<vmem>>, vector<1x1x16xf32>,
        %get3A_757 = vector.shape_cast %get3A_756 : vector<1x1x16xf32> to vector<16xf32>
        %swap3A_758 = arith.index_cast %rem3A_123 : i32 to index
        %swap3A_759 = arith.index_cast %scan3A_182 : i32 to index
        %swap3A_760 = arith.constant 832 : index
        %swap3A_761 = tpu.vector_load %arg7[%swap3A_758, %swap3A_759, %swap3A_760] {strides = array<i32>} : memref<3x16x1024xf32, #tpu.memory_space<vmem>>, vector<1x1x16xf32>,
        %swap3A_762 = vector.shape_cast %swap3A_761 : vector<1x1x16xf32> to vector<16xf32>
        %swap3A_763 = vector.shape_cast %get3A_757 : vector<16xf32> to vector<1x1x16xf32>
        tpu.vector_store %arg7[%swap3A_758, %swap3A_759, %swap3A_760], %swap3A_763 {add = true, strides = array<i32>} : memref<3x16x1024xf32, #tpu.memory_space<vmem>>, vector<1x1x16xf32>,
        %get3A_764 = arith.index_cast %rem3A_123 : i32 to index
        %get3A_765 = arith.index_cast %scan3A_182 : i32 to index
        %get3A_766 = arith.constant 848 : index
        %get3A_767 = tpu.vector_load %arg8[%get3A_764, %get3A_765, %get3A_766] {strides = array<i32>} : memref<3x16x1024xf32, #tpu.memory_space<vmem>>, vector<1x1x16xf32>,
        %get3A_768 = vector.shape_cast %get3A_767 : vector<1x1x16xf32> to vector<16xf32>
        %swap3A_769 = arith.index_cast %rem3A_123 : i32 to index
        %swap3A_770 = arith.index_cast %scan3A_182 : i32 to index
        %swap3A_771 = arith.constant 848 : index
        %swap3A_772 = tpu.vector_load %arg7[%swap3A_769, %swap3A_770, %swap3A_771] {strides = array<i32>} : memref<3x16x1024xf32, #tpu.memory_space<vmem>>, vector<1x1x16xf32>,
        %swap3A_773 = vector.shape_cast %swap3A_772 : vector<1x1x16xf32> to vector<16xf32>
        %swap3A_774 = vector.shape_cast %get3A_768 : vector<16xf32> to vector<1x1x16xf32>
        tpu.vector_store %arg7[%swap3A_769, %swap3A_770, %swap3A_771], %swap3A_774 {add = true, strides = array<i32>} : memref<3x16x1024xf32, #tpu.memory_space<vmem>>, vector<1x1x16xf32>,
        %get3A_775 = arith.index_cast %rem3A_123 : i32 to index
        %get3A_776 = arith.index_cast %scan3A_182 : i32 to index
        %get3A_777 = arith.constant 864 : index
        %get3A_778 = tpu.vector_load %arg8[%get3A_775, %get3A_776, %get3A_777] {strides = array<i32>} : memref<3x16x1024xf32, #tpu.memory_space<vmem>>, vector<1x1x16xf32>,
        %get3A_779 = vector.shape_cast %get3A_778 : vector<1x1x16xf32> to vector<16xf32>
        %swap3A_780 = arith.index_cast %rem3A_123 : i32 to index
        %swap3A_781 = arith.index_cast %scan3A_182 : i32 to index
        %swap3A_782 = arith.constant 864 : index
        %swap3A_783 = tpu.vector_load %arg7[%swap3A_780, %swap3A_781, %swap3A_782] {strides = array<i32>} : memref<3x16x1024xf32, #tpu.memory_space<vmem>>, vector<1x1x16xf32>,
        %swap3A_784 = vector.shape_cast %swap3A_783 : vector<1x1x16xf32> to vector<16xf32>
        %swap3A_785 = vector.shape_cast %get3A_779 : vector<16xf32> to vector<1x1x16xf32>
        tpu.vector_store %arg7[%swap3A_780, %swap3A_781, %swap3A_782], %swap3A_785 {add = true, strides = array<i32>} : memref<3x16x1024xf32, #tpu.memory_space<vmem>>, vector<1x1x16xf32>,
        %get3A_786 = arith.index_cast %rem3A_123 : i32 to index
        %get3A_787 = arith.index_cast %scan3A_182 : i32 to index
        %get3A_788 = arith.constant 880 : index
        %get3A_789 = tpu.vector_load %arg8[%get3A_786, %get3A_787, %get3A_788] {strides = array<i32>} : memref<3x16x1024xf32, #tpu.memory_space<vmem>>, vector<1x1x16xf32>,
        %get3A_790 = vector.shape_cast %get3A_789 : vector<1x1x16xf32> to vector<16xf32>
        %swap3A_791 = arith.index_cast %rem3A_123 : i32 to index
        %swap3A_792 = arith.index_cast %scan3A_182 : i32 to index
        %swap3A_793 = arith.constant 880 : index
        %swap3A_794 = tpu.vector_load %arg7[%swap3A_791, %swap3A_792, %swap3A_793] {strides = array<i32>} : memref<3x16x1024xf32, #tpu.memory_space<vmem>>, vector<1x1x16xf32>,
        %swap3A_795 = vector.shape_cast %swap3A_794 : vector<1x1x16xf32> to vector<16xf32>
        %swap3A_796 = vector.shape_cast %get3A_790 : vector<16xf32> to vector<1x1x16xf32>
        tpu.vector_store %arg7[%swap3A_791, %swap3A_792, %swap3A_793], %swap3A_796 {add = true, strides = array<i32>} : memref<3x16x1024xf32, #tpu.memory_space<vmem>>, vector<1x1x16xf32>,
        %get3A_797 = arith.index_cast %rem3A_123 : i32 to index
        %get3A_798 = arith.index_cast %scan3A_182 : i32 to index
        %get3A_799 = arith.constant 896 : index
        %get3A_800 = tpu.vector_load %arg8[%get3A_797, %get3A_798, %get3A_799] {strides = array<i32>} : memref<3x16x1024xf32, #tpu.memory_space<vmem>>, vector<1x1x16xf32>,
        %get3A_801 = vector.shape_cast %get3A_800 : vector<1x1x16xf32> to vector<16xf32>
        %swap3A_802 = arith.index_cast %rem3A_123 : i32 to index
        %swap3A_803 = arith.index_cast %scan3A_182 : i32 to index
        %swap3A_804 = arith.constant 896 : index
        %swap3A_805 = tpu.vector_load %arg7[%swap3A_802, %swap3A_803, %swap3A_804] {strides = array<i32>} : memref<3x16x1024xf32, #tpu.memory_space<vmem>>, vector<1x1x16xf32>,
        %swap3A_806 = vector.shape_cast %swap3A_805 : vector<1x1x16xf32> to vector<16xf32>
        %swap3A_807 = vector.shape_cast %get3A_801 : vector<16xf32> to vector<1x1x16xf32>
        tpu.vector_store %arg7[%swap3A_802, %swap3A_803, %swap3A_804], %swap3A_807 {add = true, strides = array<i32>} : memref<3x16x1024xf32, #tpu.memory_space<vmem>>, vector<1x1x16xf32>,
        %get3A_808 = arith.index_cast %rem3A_123 : i32 to index
        %get3A_809 = arith.index_cast %scan3A_182 : i32 to index
        %get3A_810 = arith.constant 912 : index
        %get3A_811 = tpu.vector_load %arg8[%get3A_808, %get3A_809, %get3A_810] {strides = array<i32>} : memref<3x16x1024xf32, #tpu.memory_space<vmem>>, vector<1x1x16xf32>,
        %get3A_812 = vector.shape_cast %get3A_811 : vector<1x1x16xf32> to vector<16xf32>
        %swap3A_813 = arith.index_cast %rem3A_123 : i32 to index
        %swap3A_814 = arith.index_cast %scan3A_182 : i32 to index
        %swap3A_815 = arith.constant 912 : index
        %swap3A_816 = tpu.vector_load %arg7[%swap3A_813, %swap3A_814, %swap3A_815] {strides = array<i32>} : memref<3x16x1024xf32, #tpu.memory_space<vmem>>, vector<1x1x16xf32>,
        %swap3A_817 = vector.shape_cast %swap3A_816 : vector<1x1x16xf32> to vector<16xf32>
        %swap3A_818 = vector.shape_cast %get3A_812 : vector<16xf32> to vector<1x1x16xf32>
        tpu.vector_store %arg7[%swap3A_813, %swap3A_814, %swap3A_815], %swap3A_818 {add = true, strides = array<i32>} : memref<3x16x1024xf32, #tpu.memory_space<vmem>>, vector<1x1x16xf32>,
        %get3A_819 = arith.index_cast %rem3A_123 : i32 to index
        %get3A_820 = arith.index_cast %scan3A_182 : i32 to index
        %get3A_821 = arith.constant 928 : index
        %get3A_822 = tpu.vector_load %arg8[%get3A_819, %get3A_820, %get3A_821] {strides = array<i32>} : memref<3x16x1024xf32, #tpu.memory_space<vmem>>, vector<1x1x16xf32>,
        %get3A_823 = vector.shape_cast %get3A_822 : vector<1x1x16xf32> to vector<16xf32>
        %swap3A_824 = arith.index_cast %rem3A_123 : i32 to index
        %swap3A_825 = arith.index_cast %scan3A_182 : i32 to index
        %swap3A_826 = arith.constant 928 : index
        %swap3A_827 = tpu.vector_load %arg7[%swap3A_824, %swap3A_825, %swap3A_826] {strides = array<i32>} : memref<3x16x1024xf32, #tpu.memory_space<vmem>>, vector<1x1x16xf32>,
        %swap3A_828 = vector.shape_cast %swap3A_827 : vector<1x1x16xf32> to vector<16xf32>
        %swap3A_829 = vector.shape_cast %get3A_823 : vector<16xf32> to vector<1x1x16xf32>
        tpu.vector_store %arg7[%swap3A_824, %swap3A_825, %swap3A_826], %swap3A_829 {add = true, strides = array<i32>} : memref<3x16x1024xf32, #tpu.memory_space<vmem>>, vector<1x1x16xf32>,
        %get3A_830 = arith.index_cast %rem3A_123 : i32 to index
        %get3A_831 = arith.index_cast %scan3A_182 : i32 to index
        %get3A_832 = arith.constant 944 : index
        %get3A_833 = tpu.vector_load %arg8[%get3A_830, %get3A_831, %get3A_832] {strides = array<i32>} : memref<3x16x1024xf32, #tpu.memory_space<vmem>>, vector<1x1x16xf32>,
        %get3A_834 = vector.shape_cast %get3A_833 : vector<1x1x16xf32> to vector<16xf32>
        %swap3A_835 = arith.index_cast %rem3A_123 : i32 to index
        %swap3A_836 = arith.index_cast %scan3A_182 : i32 to index
        %swap3A_837 = arith.constant 944 : index
        %swap3A_838 = tpu.vector_load %arg7[%swap3A_835, %swap3A_836, %swap3A_837] {strides = array<i32>} : memref<3x16x1024xf32, #tpu.memory_space<vmem>>, vector<1x1x16xf32>,
        %swap3A_839 = vector.shape_cast %swap3A_838 : vector<1x1x16xf32> to vector<16xf32>
        %swap3A_840 = vector.shape_cast %get3A_834 : vector<16xf32> to vector<1x1x16xf32>
        tpu.vector_store %arg7[%swap3A_835, %swap3A_836, %swap3A_837], %swap3A_840 {add = true, strides = array<i32>} : memref<3x16x1024xf32, #tpu.memory_space<vmem>>, vector<1x1x16xf32>,
        %get3A_841 = arith.index_cast %rem3A_123 : i32 to index
        %get3A_842 = arith.index_cast %scan3A_182 : i32 to index
        %get3A_843 = arith.constant 960 : index
        %get3A_844 = tpu.vector_load %arg8[%get3A_841, %get3A_842, %get3A_843] {strides = array<i32>} : memref<3x16x1024xf32, #tpu.memory_space<vmem>>, vector<1x1x16xf32>,
        %get3A_845 = vector.shape_cast %get3A_844 : vector<1x1x16xf32> to vector<16xf32>
        %swap3A_846 = arith.index_cast %rem3A_123 : i32 to index
        %swap3A_847 = arith.index_cast %scan3A_182 : i32 to index
        %swap3A_848 = arith.constant 960 : index
        %swap3A_849 = tpu.vector_load %arg7[%swap3A_846, %swap3A_847, %swap3A_848] {strides = array<i32>} : memref<3x16x1024xf32, #tpu.memory_space<vmem>>, vector<1x1x16xf32>,
        %swap3A_850 = vector.shape_cast %swap3A_849 : vector<1x1x16xf32> to vector<16xf32>
        %swap3A_851 = vector.shape_cast %get3A_845 : vector<16xf32> to vector<1x1x16xf32>
        tpu.vector_store %arg7[%swap3A_846, %swap3A_847, %swap3A_848], %swap3A_851 {add = true, strides = array<i32>} : memref<3x16x1024xf32, #tpu.memory_space<vmem>>, vector<1x1x16xf32>,
        %get3A_852 = arith.index_cast %rem3A_123 : i32 to index
        %get3A_853 = arith.index_cast %scan3A_182 : i32 to index
        %get3A_854 = arith.constant 976 : index
        %get3A_855 = tpu.vector_load %arg8[%get3A_852, %get3A_853, %get3A_854] {strides = array<i32>} : memref<3x16x1024xf32, #tpu.memory_space<vmem>>, vector<1x1x16xf32>,
        %get3A_856 = vector.shape_cast %get3A_855 : vector<1x1x16xf32> to vector<16xf32>
        %swap3A_857 = arith.index_cast %rem3A_123 : i32 to index
        %swap3A_858 = arith.index_cast %scan3A_182 : i32 to index
        %swap3A_859 = arith.constant 976 : index
        %swap3A_860 = tpu.vector_load %arg7[%swap3A_857, %swap3A_858, %swap3A_859] {strides = array<i32>} : memref<3x16x1024xf32, #tpu.memory_space<vmem>>, vector<1x1x16xf32>,
        %swap3A_861 = vector.shape_cast %swap3A_860 : vector<1x1x16xf32> to vector<16xf32>
        %swap3A_862 = vector.shape_cast %get3A_856 : vector<16xf32> to vector<1x1x16xf32>
        tpu.vector_store %arg7[%swap3A_857, %swap3A_858, %swap3A_859], %swap3A_862 {add = true, strides = array<i32>} : memref<3x16x1024xf32, #tpu.memory_space<vmem>>, vector<1x1x16xf32>,
        %get3A_863 = arith.index_cast %rem3A_123 : i32 to index
        %get3A_864 = arith.index_cast %scan3A_182 : i32 to index
        %get3A_865 = arith.constant 992 : index
        %get3A_866 = tpu.vector_load %arg8[%get3A_863, %get3A_864, %get3A_865] {strides = array<i32>} : memref<3x16x1024xf32, #tpu.memory_space<vmem>>, vector<1x1x16xf32>,
        %get3A_867 = vector.shape_cast %get3A_866 : vector<1x1x16xf32> to vector<16xf32>
        %swap3A_868 = arith.index_cast %rem3A_123 : i32 to index
        %swap3A_869 = arith.index_cast %scan3A_182 : i32 to index
        %swap3A_870 = arith.constant 992 : index
        %swap3A_871 = tpu.vector_load %arg7[%swap3A_868, %swap3A_869, %swap3A_870] {strides = array<i32>} : memref<3x16x1024xf32, #tpu.memory_space<vmem>>, vector<1x1x16xf32>,
        %swap3A_872 = vector.shape_cast %swap3A_871 : vector<1x1x16xf32> to vector<16xf32>
        %swap3A_873 = vector.shape_cast %get3A_867 : vector<16xf32> to vector<1x1x16xf32>
        tpu.vector_store %arg7[%swap3A_868, %swap3A_869, %swap3A_870], %swap3A_873 {add = true, strides = array<i32>} : memref<3x16x1024xf32, #tpu.memory_space<vmem>>, vector<1x1x16xf32>,
        %get3A_874 = arith.index_cast %rem3A_123 : i32 to index
        %get3A_875 = arith.index_cast %scan3A_182 : i32 to index
        %get3A_876 = arith.constant 1008 : index
        %get3A_877 = tpu.vector_load %arg8[%get3A_874, %get3A_875, %get3A_876] {strides = array<i32>} : memref<3x16x1024xf32, #tpu.memory_space<vmem>>, vector<1x1x16xf32>,
        %get3A_878 = vector.shape_cast %get3A_877 : vector<1x1x16xf32> to vector<16xf32>
        %swap3A_879 = arith.index_cast %rem3A_123 : i32 to index
        %swap3A_880 = arith.index_cast %scan3A_182 : i32 to index
        %swap3A_881 = arith.constant 1008 : index
        %swap3A_882 = tpu.vector_load %arg7[%swap3A_879, %swap3A_880, %swap3A_881] {strides = array<i32>} : memref<3x16x1024xf32, #tpu.memory_space<vmem>>, vector<1x1x16xf32>,
        %swap3A_883 = vector.shape_cast %swap3A_882 : vector<1x1x16xf32> to vector<16xf32>
        %swap3A_884 = vector.shape_cast %get3A_878 : vector<16xf32> to vector<1x1x16xf32>
        tpu.vector_store %arg7[%swap3A_879, %swap3A_880, %swap3A_881], %swap3A_884 {add = true, strides = array<i32>} : memref<3x16x1024xf32, #tpu.memory_space<vmem>>, vector<1x1x16xf32>,
      }
      %scan3A_164 = arith.constant 16 : i32
      %mul3A_165 = arith.constant 16 : i32
      %mul3A_166 = arith.muli %scan3A_122, %mul3A_165 : i32
      %add3A_167 = arith.addi %mul3A_2, %mul3A_166 : i32
      %dma_start3A_168 = arith.constant 0 : i32
      %dma_start3A_169 = arith.constant 0 : i32
      %dma_start3A_170 = tpu.memref_slice %arg7[%rem3A_123, %dma_start3A_168, %dma_start3A_169] : memref<3x16x1024xf32, #tpu.memory_space<vmem>> -> memref<1x16x1024xf32, #tpu.memory_space<vmem>>
      %dma_start3A_171 = tpu.memref_squeeze %dma_start3A_170 : memref<1x16x1024xf32, #tpu.memory_space<vmem>> -> memref<16x1024xf32, #tpu.memory_space<vmem>>
      %dma_start3A_172 = arith.constant 0 : i32
      %dma_start3A_173 = tpu.memref_slice %arg5[%add3A_167, %dma_start3A_172] : memref<32768x1024xf32, #tpu.memory_space<hbm>> -> memref<16x1024xf32, #tpu.memory_space<hbm>>
      %dma_start3A_174 = tpu.memref_slice %arg11[%rem3A_123] : memref<3x!tpu.dma_semaphore, #tpu.memory_space<semaphore_mem>> -> memref<1x!tpu.dma_semaphore, #tpu.memory_space<semaphore_mem>>
      %dma_start3A_175 = tpu.memref_squeeze %dma_start3A_174 : memref<1x!tpu.dma_semaphore, #tpu.memory_space<semaphore_mem>> -> memref<!tpu.dma_semaphore, #tpu.memory_space<semaphore_mem>>
      %dma_start3A_176 = arith.constant 0 : i32
      %dma_start3A_177 = tpu.memref_slice %arg5[%add3A_167, %dma_start3A_176] : memref<32768x1024xf32, #tpu.memory_space<hbm>> -> memref<16x1024xf32, #tpu.memory_space<hbm>>
      %dma_start3A_178 = arith.constant 0 : i32
      %dma_start3A_179 = arith.constant 0 : i32
      %dma_start3A_180 = tpu.memref_slice %arg7[%rem3A_123, %dma_start3A_178, %dma_start3A_179] : memref<3x16x1024xf32, #tpu.memory_space<vmem>> -> memref<1x16x1024xf32, #tpu.memory_space<vmem>>
      %dma_start3A_181 = tpu.memref_squeeze %dma_start3A_180 : memref<1x16x1024xf32, #tpu.memory_space<vmem>> -> memref<16x1024xf32, #tpu.memory_space<vmem>>
      tpu.enqueue_dma source(%dma_start3A_181 : memref<16x1024xf32, #tpu.memory_space<vmem>>) target(%dma_start3A_177 : memref<16x1024xf32, #tpu.memory_space<hbm>>) target_semaphore(%dma_start3A_175 : memref<!tpu.dma_semaphore, #tpu.memory_space<semaphore_mem>>)
    }
    %scan3A_68 = arith.constant 64 : i32
    %add3A_69 = arith.constant 976 : i32
    %add3A_70 = arith.addi %mul3A_2, %add3A_69 : i32
    %dma_wait3A = arith.constant 1 : i32
    %dma_wait3A_71 = arith.constant 1 : i32
    %dma_wait3A_72 = arith.constant 0 : i32
    %dma_wait3A_73 = arith.constant 0 : i32
    %dma_wait3A_74 = tpu.memref_slice %arg7[%dma_wait3A, %dma_wait3A_72, %dma_wait3A_73] : memref<3x16x1024xf32, #tpu.memory_space<vmem>> -> memref<1x16x1024xf32, #tpu.memory_space<vmem>>
    %dma_wait3A_75 = tpu.memref_squeeze %dma_wait3A_74 : memref<1x16x1024xf32, #tpu.memory_space<vmem>> -> memref<16x1024xf32, #tpu.memory_space<vmem>>
    %dma_wait3A_76 = arith.constant 0 : i32
    %dma_wait3A_77 = tpu.memref_slice %arg5[%add3A_70, %dma_wait3A_76] : memref<32768x1024xf32, #tpu.memory_space<hbm>> -> memref<16x1024xf32, #tpu.memory_space<hbm>>
    %dma_wait3A_78 = tpu.memref_slice %arg11[%dma_wait3A_71] : memref<3x!tpu.dma_semaphore, #tpu.memory_space<semaphore_mem>> -> memref<1x!tpu.dma_semaphore, #tpu.memory_space<semaphore_mem>>
    %dma_wait3A_79 = tpu.memref_squeeze %dma_wait3A_78 : memref<1x!tpu.dma_semaphore, #tpu.memory_space<semaphore_mem>> -> memref<!tpu.dma_semaphore, #tpu.memory_space<semaphore_mem>>
    %dma_wait3A_80 = arith.constant 0 : i32
    %dma_wait3A_81 = tpu.memref_slice %arg5[%add3A_70, %dma_wait3A_80] : memref<32768x1024xf32, #tpu.memory_space<hbm>> -> memref<16x1024xf32, #tpu.memory_space<hbm>>
    %dma_wait3A_82 = arith.constant 0 : i32
    %dma_wait3A_83 = arith.constant 0 : i32
    %dma_wait3A_84 = tpu.memref_slice %arg7[%dma_wait3A, %dma_wait3A_82, %dma_wait3A_83] : memref<3x16x1024xf32, #tpu.memory_space<vmem>> -> memref<1x16x1024xf32, #tpu.memory_space<vmem>>
    %dma_wait3A_85 = tpu.memref_squeeze %dma_wait3A_84 : memref<1x16x1024xf32, #tpu.memory_space<vmem>> -> memref<16x1024xf32, #tpu.memory_space<vmem>>
    tpu.wait_dma2 semaphore(%dma_wait3A_79 : memref<!tpu.dma_semaphore, #tpu.memory_space<semaphore_mem>>) src(%dma_wait3A_85 : memref<16x1024xf32, #tpu.memory_space<vmem>>) dst(%dma_wait3A_81 : memref<16x1024xf32, #tpu.memory_space<hbm>>)
    %add3A_86 = arith.constant 992 : i32
    %add3A_87 = arith.addi %mul3A_2, %add3A_86 : i32
    %dma_wait3A_88 = arith.constant 2 : i32
    %dma_wait3A_89 = arith.constant 2 : i32
    %dma_wait3A_90 = arith.constant 0 : i32
    %dma_wait3A_91 = arith.constant 0 : i32
    %dma_wait3A_92 = tpu.memref_slice %arg7[%dma_wait3A_88, %dma_wait3A_90, %dma_wait3A_91] : memref<3x16x1024xf32, #tpu.memory_space<vmem>> -> memref<1x16x1024xf32, #tpu.memory_space<vmem>>
    %dma_wait3A_93 = tpu.memref_squeeze %dma_wait3A_92 : memref<1x16x1024xf32, #tpu.memory_space<vmem>> -> memref<16x1024xf32, #tpu.memory_space<vmem>>
    %dma_wait3A_94 = arith.constant 0 : i32
    %dma_wait3A_95 = tpu.memref_slice %arg5[%add3A_87, %dma_wait3A_94] : memref<32768x1024xf32, #tpu.memory_space<hbm>> -> memref<16x1024xf32, #tpu.memory_space<hbm>>
    %dma_wait3A_96 = tpu.memref_slice %arg11[%dma_wait3A_89] : memref<3x!tpu.dma_semaphore, #tpu.memory_space<semaphore_mem>> -> memref<1x!tpu.dma_semaphore, #tpu.memory_space<semaphore_mem>>
    %dma_wait3A_97 = tpu.memref_squeeze %dma_wait3A_96 : memref<1x!tpu.dma_semaphore, #tpu.memory_space<semaphore_mem>> -> memref<!tpu.dma_semaphore, #tpu.memory_space<semaphore_mem>>
    %dma_wait3A_98 = arith.constant 0 : i32
    %dma_wait3A_99 = tpu.memref_slice %arg5[%add3A_87, %dma_wait3A_98] : memref<32768x1024xf32, #tpu.memory_space<hbm>> -> memref<16x1024xf32, #tpu.memory_space<hbm>>
    %dma_wait3A_100 = arith.constant 0 : i32
    %dma_wait3A_101 = arith.constant 0 : i32
    %dma_wait3A_102 = tpu.memref_slice %arg7[%dma_wait3A_88, %dma_wait3A_100, %dma_wait3A_101] : memref<3x16x1024xf32, #tpu.memory_space<vmem>> -> memref<1x16x1024xf32, #tpu.memory_space<vmem>>
    %dma_wait3A_103 = tpu.memref_squeeze %dma_wait3A_102 : memref<1x16x1024xf32, #tpu.memory_space<vmem>> -> memref<16x1024xf32, #tpu.memory_space<vmem>>
    tpu.wait_dma2 semaphore(%dma_wait3A_97 : memref<!tpu.dma_semaphore, #tpu.memory_space<semaphore_mem>>) src(%dma_wait3A_103 : memref<16x1024xf32, #tpu.memory_space<vmem>>) dst(%dma_wait3A_99 : memref<16x1024xf32, #tpu.memory_space<hbm>>)
    %add3A_104 = arith.constant 1008 : i32
    %add3A_105 = arith.addi %mul3A_2, %add3A_104 : i32
    %dma_wait3A_106 = arith.constant 0 : i32
    %dma_wait3A_107 = arith.constant 0 : i32
    %dma_wait3A_108 = arith.constant 0 : i32
    %dma_wait3A_109 = arith.constant 0 : i32
    %dma_wait3A_110 = tpu.memref_slice %arg7[%dma_wait3A_106, %dma_wait3A_108, %dma_wait3A_109] : memref<3x16x1024xf32, #tpu.memory_space<vmem>> -> memref<1x16x1024xf32, #tpu.memory_space<vmem>>
    %dma_wait3A_111 = tpu.memref_squeeze %dma_wait3A_110 : memref<1x16x1024xf32, #tpu.memory_space<vmem>> -> memref<16x1024xf32, #tpu.memory_space<vmem>>
    %dma_wait3A_112 = arith.constant 0 : i32
    %dma_wait3A_113 = tpu.memref_slice %arg5[%add3A_105, %dma_wait3A_112] : memref<32768x1024xf32, #tpu.memory_space<hbm>> -> memref<16x1024xf32, #tpu.memory_space<hbm>>
    %dma_wait3A_114 = tpu.memref_slice %arg11[%dma_wait3A_107] : memref<3x!tpu.dma_semaphore, #tpu.memory_space<semaphore_mem>> -> memref<1x!tpu.dma_semaphore, #tpu.memory_space<semaphore_mem>>
    %dma_wait3A_115 = tpu.memref_squeeze %dma_wait3A_114 : memref<1x!tpu.dma_semaphore, #tpu.memory_space<semaphore_mem>> -> memref<!tpu.dma_semaphore, #tpu.memory_space<semaphore_mem>>
    %dma_wait3A_116 = arith.constant 0 : i32
    %dma_wait3A_117 = tpu.memref_slice %arg5[%add3A_105, %dma_wait3A_116] : memref<32768x1024xf32, #tpu.memory_space<hbm>> -> memref<16x1024xf32, #tpu.memory_space<hbm>>
    %dma_wait3A_118 = arith.constant 0 : i32
    %dma_wait3A_119 = arith.constant 0 : i32
    %dma_wait3A_120 = tpu.memref_slice %arg7[%dma_wait3A_106, %dma_wait3A_118, %dma_wait3A_119] : memref<3x16x1024xf32, #tpu.memory_space<vmem>> -> memref<1x16x1024xf32, #tpu.memory_space<vmem>>
    %dma_wait3A_121 = tpu.memref_squeeze %dma_wait3A_120 : memref<1x16x1024xf32, #tpu.memory_space<vmem>> -> memref<16x1024xf32, #tpu.memory_space<vmem>>
    tpu.wait_dma2 semaphore(%dma_wait3A_115 : memref<!tpu.dma_semaphore, #tpu.memory_space<semaphore_mem>>) src(%dma_wait3A_121 : memref<16x1024xf32, #tpu.memory_space<vmem>>) dst(%dma_wait3A_117 : memref<16x1024xf32, #tpu.memory_space<hbm>>)
    return
  }
}

</mosaic_0001>

<sc_bundles>
// kernel: kernel.3.cloned.1.call-start
scs
__scs_entry_jumppad:
0x0: {  	(pc) =	sbr.rel $0x88, $3  }
0x1: {  	(tag) =	ssettag $0x0;
	lr =	simm.s32 $0x1  }
0x2: {  	[smem:$0x3F9E] =	sst lr;
	_ =	strace $0xD0000000  }
0x3: {  	_ = 	snop  }
0x4: {  	_ = 	snop  }
0x5: {  	_ = 	snop  }
0x6: {  	_ = 	snop  }
0x7: {  	_ = 	snop  }
__scs_overlays_trampoline_lowered:
0x8: {  	[smem:$0x3FAD] =	sst s0  }
0x9: {  	[smem:$0x3FAE] =	sst s1  }
0xa: {  	[smem:$0x3FAF] =	sst s2  }
0xb: {  	[smem:$0x3FB0] =	sst s3  }
0xc: {  	[smem:$0x3FB1] =	sst s4  }
0xd: {  	[smem:$0x3FB2] =	sst s5  }
0xe: {  	[smem:$0x3FB3] =	sst s6  }
0xf: {  	[smem:$0x3FB4] =	sst s7  }
0x10: {  	[smem:$0x3FB5] =	sst s8  }
0x11: {  	[smem:$0x3FB6] =	sst s9;
	s0 =	simm.s32 @!p0 $0x0  }
0x12: {  	s1 =	sld [smem:$0x3F9C];
	s0 =	simm.s32 @p0 $0x1  }
0x13: {  	[smem:$0x3FB7] =	sst s0;
	s0 =	simm.s32 @!p1 $0x0  }
0x14: {  	s2 =	sld [smem:$0x3F9B];
	s0 =	simm.s32 @p1 $0x1  }
0x15: {  	[smem:$0x3FB8] =	sst s0;
	s0 =	simm.s32 @!p2 $0x0  }
0x16: {  	s3 =	sld [smem:$0x3FDB];
	s0 =	simm.s32 @p2 $0x1  }
0x17: {  	s4 =	simm.s32 $0x1BF5;
	[smem:$0x3FBA] =	sst s0  }
0x18: {  	s0 =	sld [smem:$0x3F9D];
	_ =	swait.ge [sflag:s4], $0x0  }
0x19: {  	s7 =	sld [smem:$0x3F9E]  }
0x1a: {  	s8 =	sadd.s32 $0xFFFFE003, lr  }
0x1b: {  	s9 =	sadd.s32 $0xFFFFFEF7, lr;
	s5 =	simm.s32 $0xFFFFFFFF;
	p2 =	slt.u32 s8, $0xFFFFF086  }
0x1c: {  	p1 =	slt.u32 s9, $0xF7A;
	s5 =	simm.s32 @!p2 $0x0  }
0x1d: {  	s5 =	simm.s32 @p1 $0x1;
	p0 =	seq.s32 s7, s2  }
0x1e: {  	s7 =	smul.u32 @!p0 $0xF7A, s2;
	p2 =	seq.s32 @!p0 s5, $0x0  }
0x1f: {  	s9 =	smul.u32 $0xF7A, s1;
	s8 =	simm.s32 @!p0 $0x1BF5;
	p2 =	por !p2, p0  }
0x20: {  	[sflag:s8] =	ssyncset.s32 @!p0 $0xFFFFF086;
	s6 =	sadd.s32 @!p0 s3, s7;
	s7 =	simm.s32 @!p0 $0x108  }
0x21: {  	s3 =	sadd.s32 s3, s9;
	s6 =	sadd.s32 @!p0 $0x88, s6;
	s7 =	simm.s32 @p2 $0x1082  }
0x22: {  	[simem:s7], [sflag:s8] =	dma.local @!p0 [hbm:s6], $0xF7A  }
0x23: {  	s9 =	sor.u32 $0xD0000000, s2;
	s6 =	simm.s32 $0x108;
	_ =	swait.ge @!p0 [sflag:s8], $0x0  }
0x24: {  	s3 =	sadd.s32 $0x88, s3;
	s6 =	simm.s32 @!p1 $0x1082;
	[sflag:s4] =	ssyncset.s32 $0xFFFFF086  }
0x25: {  	[simem:s6], [sflag:s4] =	dma.local [hbm:s3], $0xF7A  }
0x26: {  	[smem:$0x3F9E] =	sst s1;
	(tag) =	ssettag s2;
	_ =	strace s9  }
0x27: {  	s1 =	sld [smem:$0x3FAE]  }
0x28: {  	s2 =	sld [smem:$0x3FAF]  }
0x29: {  	s4 =	sld [smem:$0x3FB1]  }
0x2a: {  	p0 =	seq.s32 s5, $0x0;
	s5 =	sld [smem:$0x3FB2]  }
0x2b: {  	s6 =	sld [smem:$0x3FB3]  }
0x2c: {  	s7 =	sld [smem:$0x3FB4]  }
0x2d: {  	s3 =	simm.s32 $0x108;
	s8 =	sld [smem:$0x3FB5]  }
0x2e: {  	s3 =	simm.s32 @!p0 $0x1082;
	s9 =	sld [smem:$0x3FB6]  }
0x2f: {  	lr =	sadd.s32 s0, s3;
	s0 =	sld [smem:$0x3FAD]  }
0x30: {  	s3 =	sld [smem:$0x3FB0]  }
0x31: {  	[smem:$0x3FB9] =	sst s10  }
0x32: {  	s10 =	sld [smem:$0x3FB7];
	_ =	sdelay $0x3  }
0x33: {  	p0 =	seq.s32 s10, $0x1;
	s10 =	sld [smem:$0x3FB9];
	_ =	sdelay $0x3  }
0x34: {  	[smem:$0x3FB9] =	sst s10  }
0x35: {  	s10 =	sld [smem:$0x3FB8];
	_ =	sdelay $0x3  }
0x36: {  	p1 =	seq.s32 s10, $0x1;
	s10 =	sld [smem:$0x3FB9];
	_ =	sdelay $0x3  }
0x37: {  	[smem:$0x3FB9] =	sst s10  }
0x38: {  	s10 =	sld [smem:$0x3FBA]  }
0x39: {  	_ = 	snop;
	(pc) =	sbr.ind lr, $3  }
0x3a: {  	_ = 	snop  }
0x3b: {  	_ = 	snop  }
0x3c: {  	p2 =	seq.s32 s10, $0x1;
	s10 =	sld [smem:$0x3FB9]  }
0x3d: {  	_ =	shalt  }
0x3e: {  	_ =	shalt  }
0x3f: {  	_ =	shalt  }
0x40: {  	_ =	shalt  }
0x41: {  	_ =	shalt  }
0x42: {  	_ =	shalt  }
0x43: {  	_ =	shalt  }
0x44: {  	_ =	shalt  }
0x45: {  	_ =	shalt  }
0x46: {  	_ =	shalt  }
0x47: {  	_ =	shalt  }
0x48: {  	_ =	shalt  }
0x49: {  	_ =	shalt  }
0x4a: {  	_ =	shalt  }
0x4b: {  	_ =	shalt  }
0x4c: {  	_ =	shalt  }
0x4d: {  	_ =	shalt  }
0x4e: {  	_ =	shalt  }
0x4f: {  	_ =	shalt  }
0x50: {  	_ =	shalt  }
0x51: {  	_ =	shalt  }
0x52: {  	_ =	shalt  }
0x53: {  	_ =	shalt  }
0x54: {  	_ =	shalt  }
0x55: {  	_ =	shalt  }
0x56: {  	_ =	shalt  }
0x57: {  	_ =	shalt  }
0x58: {  	_ =	shalt  }
0x59: {  	_ =	shalt  }
0x5a: {  	_ =	shalt  }
0x5b: {  	_ =	shalt  }
0x5c: {  	_ =	shalt  }
0x5d: {  	_ =	shalt  }
0x5e: {  	_ =	shalt  }
0x5f: {  	_ =	shalt  }
0x60: {  	_ =	shalt  }
0x61: {  	_ =	shalt  }
0x62: {  	_ =	shalt  }
0x63: {  	_ =	shalt  }
0x64: {  	_ =	shalt  }
0x65: {  	_ =	shalt  }
0x66: {  	_ =	shalt  }
0x67: {  	_ =	shalt  }
0x68: {  	_ =	shalt  }
0x69: {  	_ =	shalt  }
0x6a: {  	_ =	shalt  }
0x6b: {  	_ =	shalt  }
0x6c: {  	_ =	shalt  }
0x6d: {  	_ =	shalt  }
0x6e: {  	_ =	shalt  }
0x6f: {  	_ =	shalt  }
0x70: {  	_ =	shalt  }
0x71: {  	_ =	shalt  }
0x72: {  	_ =	shalt  }
0x73: {  	_ =	shalt  }
0x74: {  	_ =	shalt  }
0x75: {  	_ =	shalt  }
0x76: {  	_ =	shalt  }
0x77: {  	_ =	shalt  }
0x78: {  	_ =	shalt  }
0x79: {  	_ =	shalt  }
0x7a: {  	_ =	shalt  }
0x7b: {  	_ =	shalt  }
0x7c: {  	_ =	shalt  }
0x7d: {  	_ =	shalt  }
0x7e: {  	_ =	shalt  }
0x7f: {  	_ =	shalt  }
0x80: {  	_ =	shalt  }
0x81: {  	_ =	shalt  }
0x82: {  	_ =	shalt  }
0x83: {  	_ =	shalt  }
0x84: {  	_ =	shalt  }
0x85: {  	_ =	shalt  }
0x86: {  	_ =	shalt  }
0x87: {  	_ =	shalt  }
.Lfunc_end0:
.L_simem_size_0:
called_computation_lowered:
.L_overlay_start_0:
0x88: {  	s2 =	sld [smem:$0x3FD9]  }
0x89: {  	s3 =	sld [smem:$0x3FFE];
	_ =	sdelay $0x1  }
0x8a: {  	s1 =	srdreg.scid  }
0x8b: {  	s0 =	sand.u32 $0x1, s1  }
0x8c: {  	s17 =	sshll.u32 s0, $0xA;
	s2 =	sadd.s32 s3, s2  }
0x8d: {  	s2 =	sadd.s32 s2, s17  }
0x8e: {  	[smem:$0x3FC5] =	sst s2  }
0x8f: {  	_ = 	snop  }
0x90: {  	s2 =	sld [smem:$0x3FC9]  }
0x91: {  	s18 =	sld [smem:$0x3FC7]  }
0x92: {  	s4 =	sld [smem:$0x3FD0];
	(tm) =	ssettm $0x1  }
0x93: {  	s5 =	sld [smem:$0x3FFB];
	_ =	sdelay $0x3  }
0x94: {  	_ =	strace s5  }
0x95: {  	s5 =	sld [smem:$0x3FFC];
	_ =	sdelay $0x3  }
0x96: {  	_ =	strace s5  }
0x97: {  	s5 =	sld [smem:$0x3FFD];
	_ =	sdelay $0x3  }
0x98: {  	_ =	strace s5  }
0x99: {  	_ =	strace $0x8FFFFFFF  }
0x9a: {  	s19 =	sld [smem:$0x3FDB];
	_ =	sdelay $0x1  }
0x9b: {  	s6 =	simm.s32 $_scs_section_size  }
0x9c: {  	s7 =	simm.s32 $_size__tile_overlayer_lowered;
	s8 =	simm.s32 $_tile_overlayer_lowered  }
0x9d: {  	s22 =	simm.s32 $0x1BFF;
	s21 =	sshll.u32 s8, $0x1;
	s5 =	sadd.s32 s6, s19  }
0x9e: {  	s9 =	simm.s32 $0x0;
	s20 =	sshll.u32 s7, $0x1;
	s7 =	sadd.s32 s21, s5  }
0x9f: {  	[timem:s9], [sflag:s22] =	dma.local [hbm:s7], s20  }
0xa0: {  	_ =	swait.ge [sflag:s22], s20  }
0xa1: {  	s6 =	ssub.s32 $0x0, s20;
	[sflag:s22] =	ssyncset.done $0x0  }
0xa2: {  	[sflag:s22] =	ssyncadd.s32 s6;
	_ =	sdelay $0x1  }
0xa3: {  	s23 =	simm.s32 $0x1B8B  }
0xa4: {  	_ =	swait.ge [sflag:s23], $0x1  }
0xa5: {  	[sflag:s23] =	ssyncset.done $0x0  }
0xa6: {  	s25 =	simm.s32 $0x1B8E;
	s24 =	sld [smem:$0x3FFE];
	[sflag:s23] =	ssyncadd.s32 $0xFFFFFFFF  }
0xa7: {  	s26 =	simm.s32 $execute0_lowered;
	[smem:$0x3FD2] =	sst s25  }
0xa8: {  	s7 =	sshll.u32 s26, $0x1;
	_ =	strace $0x80000046;
	[dreg:$0x1] =	wrdreg $0xFFFFFFFF  }
0xa9: {  	s28 =	simm.s32 $_size_execute0_lowered;
	s5 =	sadd.s32 s5, s7;
	[dreg:$0x0] =	wrdreg $0x0  }
0xaa: {  	s7 =	sshll.u32 s28, $0x1;
	[dreg:$0x2] =	wrdreg s5  }
0xab: {  	[dreg:$0x3] =	wrdreg s7  }
0xac: {  	[dreg:$0x4] =	wrdreg $0xC0  }
0xad: {  	_ =	task [dreg:s9], $0x5FFFF  }
0xae: {  	[dreg:$0x1] =	wrdreg $0xFFFFFFFF  }
0xaf: {  	[dreg:$0x0] =	wrdreg $0x60  }
0xb0: {  	[dreg:$0x2] =	wrdreg s2  }
0xb1: {  	[dreg:$0x3] =	wrdreg s24  }
0xb2: {  	[dreg:$0x4] =	wrdreg s18  }
0xb3: {  	[dreg:$0x5] =	wrdreg s4  }
0xb4: {  	[dreg:$0x6] =	wrdreg $0x9  }
0xb5: {  	_ =	task.clear_ibuf [dreg:s9], $0x7FFFF;
	_ =	strace $0x90000046  }
0xb6: {  	s29 =	simm.s32 $0x9;
	_ =	strace $0x80000048  }
0xb7: {  	_ =	swait.ge [sflag:s29], $0x1  }
0xb8: {  	[sflag:s29] =	ssyncadd.s32 $0xFFFFFFFF  }
0xb9: {  	_ =	strace $0x90000048  }
0xba: {  	_ =	sfence  }
0xbb: {  	s30 =	sld [smem:$0x0];
	_ =	sdelay $0x2  }
0xbc: {  	s31 =	sshll.u32 s1, $0xD;
	s1 =	sshrl.u32 s1, $0x2  }
0xbd: {  	s3 =	sand.u32 $0x4000, s31;
	s1 =	sadd.s32 s1, s30  }
0xbe: {  	s0 =	sor.u32 s3, s0;
	s1 =	sshll.u32 s1, $0x11  }
0xbf: {  	s0 =	sor.u32 s1, s0  }
0xc0: {  	s0 =	sadd.s32 $0x8F2B, s0  }
0xc1: {  	[sflag:s0] =	ssyncadd.remote.s32 $0x1  }
0xc2: {  	_ =	sfence.sel $0xFFFF  }
0xc3: {  	[dreg:$0x0] =	wrdreg $0xFFFFFFFF;
	(pc) =	sbr.abs _section_cstart, $3  }
0xc4: {  	[dreg:$0x1] =	wrdreg $0xFFFFFFFF  }
0xc5: {  	_ =	task.clear_ibuf [dreg:s9], $0x2FFFF;
	_ =	strace $0x9FFFFFFF  }
0xc6: {  	(tm) =	ssettm $0x7FFFFFFF  }
0xc7: {  	_ =	shalt  }
tec
execute0_lowered:
.L_overlay_start_1:
0x0: {  	(tag) =	ssettag $0x1  }
0x1: {  	s1 =	rddreg [dreg:$0x0]  }
0x2: {  	s0 =	rddreg [dreg:$0x1]  }
0x3: {  	s2 =	srdreg.scid;
	s3 =	rddreg [dreg:$0x2]  }
0x4: {  	s4 =	stileid.u32;
	s12 =	rddreg [dreg:$0x3];
	s14 =	simm.s32 $0xA  }
0x5: {  	s29 =	simm.s32 $0x11C00;
	s30 =	simm.s32 $0x12400;
	s31 =	simm.s32 $0x12C00  }
0x6: {  	s15 =	simm.s32 $0x8;
	s16 =	simm.s32 $0x9;
	s17 =	simm.s32 $0x7  }
0x7: {  	s18 =	simm.s32 $0x0;
	s2 =	sand.u32 $0x1, s2;
	s5 =	sshll.u32 s4, $0xB  }
0x8: {  	s4 =	simm.s32 $0x0;
	s8 =	sadd.s32 $0x100, s3;
	s9 =	sadd.s32 $0x200, s3  }
0x9: {  	s10 =	sadd.s32 $0x300, s3;
	s6 =	sshll.u32 s2, $0xA;
	[smem:$0x7FF] =	sst s4  }
0xa: {  	s2 =	ssub.s32 $0x2, s2;
	s5 =	sor.u32 s6, s5;
	_ =	strace $0x80000047  }
0xb: {  	v2 =	vlaneseq.u32;
	s26 =	sshrl.u32 s2, $0x1;
	s6 =	sshrl.u32 s5, $0x3;
	s28 =	sshll.u32 s5, $0x7  }
0xc: {  	v0 =	vand.u32 $0x7, v2;
	s2 =	ssub.s32 s2, s26;
	s0 =	sadd.s32 s6, s0;
	s7 =	sadd.s32 s1, s28  }
0xd: {  	v1 =	vshrl.u32 v2, $0x3;
	[tilespmem:$0x1FFE0] =	vst v0;
	v0 =	vor.u32 $0x8, v2;
	s12 =	sadd.s32 s12, s28;
	s13 =	smax.u32 s2, $0x1;
	s2 =	simm.s32 $0x13400  }
0xe: {  	vm0 =	vmmov $0xffff;
	v1 =	vmul.u32 $0x8, v1;
	[tilespmem:$0x1FFF0] =	vst v0;
	s6 =	sadd.s32 $0x400, s0;
	s11 =	sadd.s32 $0x800, s7;
	s0 =	simm.s32 $0x13C00  }
.LBB2_1:
0xf: {  	[tilespmem:s4], [sflag:$0xA] =	stream.linear.gather [hbm4b:s6+s4], $0x400, $0x38;
	[tilespmem:$0x18400] =	vst v63  }
0x10: {  	_ =	swait.ge [sflag:s14], $0x400  }
0x11: {  	[sflag:s14] =	ssyncset.done $0x0  }
0x12: {  	s19 =	simm.s32 $0x400;
	[sflag:s14] =	ssyncadd.s32 $0xFFFFFC00  }
0x13: {  	[tilespmem:s19], [sflag:$0x1] =	stream.linear.gather [hbm4b:s7+s4], $0x4000, $0x38;
	[tilespmem:$0x18400] =	vst v63  }
0x14: {  	v3 =	vld [tilespmem:$0x0];
	_ =	sdelay $0x2  }
0x15: {  	v0 =	vld [tilespmem:$0x1FFE0];
	_ =	sdelay $0x1  }
0x16: {  	v4 =	vshll.u32 v3, $0x3  }
0x17: {  	v3 =	vand.u32 $0x7, v3;
	v4 =	vand.u32 $0xFFFFFFC0, v4  }
0x18: {  	v3 =	vor.u32 v3, v4  }
0x19: {  	v4 =	vperm.xlane v3, v0;
	_ =	sdelay $0x1  }
0x1a: {  	v4 =	vadd.s32 v1, v4  }
0x1b: {  	v2 =	vld [tilespmem:$0x1FFF0];
	_ =	sdelay $0x2  }
0x1c: {  	s24 =	simm.s32 $0xC400  }
0x1d: {  	[tilespmem:s24], [sflag:$0x4] =	stream.indirect_vreg.gather [hbm4b:s3+s4], $0x80, v4, vm0, $0xb8;
	[tilespmem:$0x18400] =	vst v63  }
0x1e: {  	s25 =	simm.s32 $0xCC00;
	v3 =	vperm.xlane v3, v2  }
0x1f: {  	[tilespmem:s25], [sflag:$0x4] =	stream.indirect_vreg.gather [hbm4b:s8+s4], $0x80, v4, vm0, $0xb8;
	[tilespmem:$0x18400] =	vst v63  }
0x20: {  	s26 =	simm.s32 $0xD400;
	v3 =	vadd.s32 v1, v3  }
0x21: {  	[tilespmem:s26], [sflag:$0x4] =	stream.indirect_vreg.gather [hbm4b:s9+s4], $0x80, v4, vm0, $0xb8;
	[tilespmem:$0x18400] =	vst v63  }
0x22: {  	s28 =	simm.s32 $0xDC00  }
0x23: {  	[tilespmem:s28], [sflag:$0x4] =	stream.indirect_vreg.gather [hbm4b:s10+s4], $0x80, v4, vm0, $0xb8;
	[tilespmem:$0x18400] =	vst v63  }
0x24: {  	s20 =	simm.s32 $0xE400  }
0x25: {  	[tilespmem:s20], [sflag:$0x4] =	stream.indirect_vreg.gather [hbm4b:s3+s4], $0x80, v3, vm0, $0xb8;
	[tilespmem:$0x18400] =	vst v63  }
0x26: {  	s21 =	simm.s32 $0xEC00  }
0x27: {  	[tilespmem:s21], [sflag:$0x4] =	stream.indirect_vreg.gather [hbm4b:s8+s4], $0x80, v3, vm0, $0xb8;
	[tilespmem:$0x18400] =	vst v63  }
0x28: {  	s22 =	simm.s32 $0xF400  }
0x29: {  	[tilespmem:s22], [sflag:$0x4] =	stream.indirect_vreg.gather [hbm4b:s9+s4], $0x80, v3, vm0, $0xb8;
	[tilespmem:$0x18400] =	vst v63  }
0x2a: {  	s23 =	simm.s32 $0xFC00  }
0x2b: {  	[tilespmem:s23], [sflag:$0x4] =	stream.indirect_vreg.gather [hbm4b:s10+s4], $0x80, v3, vm0, $0xb8;
	[tilespmem:$0x18400] =	vst v63  }
0x2c: {  	s24 =	simm.s32 $0x4400  }
0x2d: {  	[tilespmem:s24], [sflag:$0x2] =	stream.linear.gather [hbm4b:s11+s4], $0x4000, $0x38;
	[tilespmem:$0x18400] =	vst v63  }
0x2e: {  	v3 =	vld [tilespmem:$0x10];
	_ =	sdelay $0x4  }
0x2f: {  	v63 =	vshll.u32 v3, $0x3  }
0x30: {  	v3 =	vand.u32 $0x7, v3;
	v4 =	vand.u32 $0xFFFFFFC0, v63  }
0x31: {  	v3 =	vor.u32 v3, v4  }
0x32: {  	v4 =	vperm.xlane v3, v0;
	_ =	sdelay $0x1  }
0x33: {  	v4 =	vadd.s32 v1, v4;
	_ =	sdelay $0x3  }
0x34: {  	s25 =	simm.s32 $0x10400  }
0x35: {  	[tilespmem:s25], [sflag:$0x5] =	stream.indirect_vreg.gather [hbm4b:s3+s4], $0x80, v4, vm0, $0xb8;
	[tilespmem:$0x18400] =	vst v63  }
0x36: {  	s26 =	simm.s32 $0x10C00;
	v3 =	vperm.xlane v3, v2  }
0x37: {  	[tilespmem:s26], [sflag:$0x5] =	stream.indirect_vreg.gather [hbm4b:s8+s4], $0x80, v4, vm0, $0xb8;
	[tilespmem:$0x18400] =	vst v63  }
0x38: {  	s28 =	simm.s32 $0x11400;
	v3 =	vadd.s32 v1, v3  }
0x39: {  	[tilespmem:s28], [sflag:$0x5] =	stream.indirect_vreg.gather [hbm4b:s9+s4], $0x80, v4, vm0, $0xb8;
	[tilespmem:$0x18400] =	vst v63  }
0x3a: {  	_ = 	snop  }
0x3b: {  	[tilespmem:s29], [sflag:$0x5] =	stream.indirect_vreg.gather [hbm4b:s10+s4], $0x80, v4, vm0, $0xb8;
	[tilespmem:$0x18400] =	vst v63  }
0x3c: {  	_ = 	snop  }
0x3d: {  	[tilespmem:s30], [sflag:$0x5] =	stream.indirect_vreg.gather [hbm4b:s3+s4], $0x80, v3, vm0, $0xb8;
	[tilespmem:$0x18400] =	vst v63  }
0x3e: {  	_ = 	snop  }
0x3f: {  	[tilespmem:s31], [sflag:$0x5] =	stream.indirect_vreg.gather [hbm4b:s8+s4], $0x80, v3, vm0, $0xb8;
	[tilespmem:$0x18400] =	vst v63  }
0x40: {  	_ = 	snop  }
0x41: {  	[tilespmem:s2], [sflag:$0x5] =	stream.indirect_vreg.gather [hbm4b:s9+s4], $0x80, v3, vm0, $0xb8;
	[tilespmem:$0x18400] =	vst v63  }
0x42: {  	s19 =	simm.s32 $0x0  }
0x43: {  	[tilespmem:s0], [sflag:$0x5] =	stream.indirect_vreg.gather [hbm4b:s10+s4], $0x80, v3, vm0, $0xb8;
	[tilespmem:$0x18400] =	vst v63  }
.LBB2_2:
0x44: {  	s21 =	smul.u32 $0xAB, s19;
	_ =	sdelay $0x1  }
0x45: {  	s20 =	sshrl.u32 s21, $0x9  }
0x46: {  	s20 =	sand.u32 $0x7F, s20  }
0x47: {  	s20 =	smul.u32 $0x3, s20;
	_ =	sdelay $0x1  }
0x48: {  	s20 =	ssub.s32 s19, s20  }
0x49: {  	s21 =	sadd.s32 $0x156, s21;
	s20 =	sand.u32 $0xFF, s20  }
0x4a: {  	s21 =	sshrl.u32 s21, $0x9;
	s22 =	sadd.s32 $0x1, s20  }
0x4b: {  	s23 =	sadd.s32 $0x2, s19;
	s21 =	sand.u32 $0x7F, s21;
	_ =	swait.ge [sflag:s22], $0x4000  }
0x4c: {  	p0 =	sgt.u32 s19, $0x3D;
	s21 =	smul.u32 $0x3, s21;
	[sflag:s22] =	ssyncset.done $0x0  }
0x4d: {  	p1 =	seq.s32 @!p0 s19, $0x0;
	s26 =	sor.u32 $0x4, s20;
	[sflag:s22] =	ssyncadd.s32 $0xFFFFC000  }
0x4e: {  	p1 =	por p1, p0;
	s21 =	ssub.s32 s23, s21;
	_ =	swait.ge [sflag:s26], $0x4000  }
0x4f: {  	s23 =	sshll.u32 @!p0 s23, $0x4;
	s21 =	sand.u32 $0xFF, s21;
	[sflag:s26] =	ssyncset.done $0x0  }
0x50: {  	s25 =	sadd.s32 @!p0 s5, s23;
	s22 =	sadd.s32 @!p1 $0x7, s21;
	[sflag:s26] =	ssyncadd.s32 $0xFFFFC000  }
0x51: {  	s28 =	simm.s32 @!p0 $0x0;
	s25 =	sshll.u32 @!p0 s25, $0x7;
	_ =	swait.ge @!p1 [sflag:s22], $0x4000  }
0x52: {  	s24 =	sshll.u32 @!p0 s21, $0xE;
	s25 =	sadd.s32 @!p0 s1, s25;
	[sflag:s22] =	ssyncset.done @!p1 $0x0  }
0x53: {  	s26 =	sadd.s32 @!p0 $0x1, s21;
	[sflag:s22] =	ssyncadd.s32 @!p1 $0xFFFFC000;
	s22 =	sor.u32 @!p0 $0x400, s24  }
0x54: {  	[tilespmem:s22], [sflag:s26] =	stream.linear.gather @!p0 [hbm4b:s25+s28], $0x4000, $0x38;
	[tilespmem:$0x18400] =	vst v63  }
0x55: {  	v3 =	vld @!p0 [tilespmem:s23+$0x0];
	_ =	sdelay $0x4  }
0x56: {  	v4 =	vshll.u32 @!p0 v3, $0x3  }
0x57: {  	v5 =	vlaneseq.u32 @!p0;
	v3 =	vand.u32 @!p0 $0x7, v3;
	v4 =	vand.u32 @!p0 $0xFFFFFFC0, v4  }
0x58: {  	v6 =	vshrl.u32 @!p0 v5, $0x3;
	v3 =	vor.u32 @!p0 v3, v4;
	v4 =	vand.u32 @!p0 $0x7, v5  }
0x59: {  	v6 =	vmul.u32 @!p0 $0x8, v6;
	v4 =	vperm.xlane @!p0 v3, v4;
	_ =	sdelay $0x1  }
0x5a: {  	v4 =	vadd.s32 @!p0 v6, v4;
	_ =	sdelay $0x3  }
0x5b: {  	vm1 =	vmmov @!p0 $0xffff;
	s21 =	sadd.s32 @!p0 $0x4, s21;
	s22 =	sadd.s32 @!p0 $0xC400, s24  }
0x5c: {  	v5 =	vor.u32 @!p0 $0x8, v5;
	[tilespmem:s22], [sflag:s21] =	stream.indirect_vreg.gather @!p0 [hbm4b:s3+s28], $0x80, v4, vm1, $0xb8;
	[tilespmem:$0x18400] =	vst v63  }
0x5d: {  	v3 =	vperm.xlane @!p0 v3, v5;
	s22 =	sadd.s32 @!p0 $0xCC00, s24  }
0x5e: {  	[tilespmem:s22], [sflag:s21] =	stream.indirect_vreg.gather @!p0 [hbm4b:s8+s28], $0x80, v4, vm1, $0xb8;
	[tilespmem:$0x18400] =	vst v63  }
0x5f: {  	v3 =	vadd.s32 @!p0 v6, v3;
	s22 =	sadd.s32 @!p0 $0xD400, s24  }
0x60: {  	[tilespmem:s22], [sflag:s21] =	stream.indirect_vreg.gather @!p0 [hbm4b:s9+s28], $0x80, v4, vm1, $0xb8;
	[tilespmem:$0x18400] =	vst v63  }
0x61: {  	s22 =	sadd.s32 @!p0 $0xDC00, s24  }
0x62: {  	[tilespmem:s22], [sflag:s21] =	stream.indirect_vreg.gather @!p0 [hbm4b:s10+s28], $0x80, v4, vm1, $0xb8;
	[tilespmem:$0x18400] =	vst v63  }
0x63: {  	s22 =	sadd.s32 @!p0 $0xE400, s24  }
0x64: {  	[tilespmem:s22], [sflag:s21] =	stream.indirect_vreg.gather @!p0 [hbm4b:s3+s28], $0x80, v3, vm1, $0xb8;
	[tilespmem:$0x18400] =	vst v63  }
0x65: {  	s22 =	sadd.s32 @!p0 $0xEC00, s24  }
0x66: {  	[tilespmem:s22], [sflag:s21] =	stream.indirect_vreg.gather @!p0 [hbm4b:s8+s28], $0x80, v3, vm1, $0xb8;
	[tilespmem:$0x18400] =	vst v63  }
0x67: {  	s22 =	sadd.s32 @!p0 $0xF400, s24  }
0x68: {  	[tilespmem:s22], [sflag:s21] =	stream.indirect_vreg.gather @!p0 [hbm4b:s9+s28], $0x80, v3, vm1, $0xb8;
	[tilespmem:$0x18400] =	vst v63  }
0x69: {  	s22 =	sadd.s32 @!p0 $0xFC00, s24;
	s24 =	simm.s32 $0x0  }
0x6a: {  	[tilespmem:s22], [sflag:s21] =	stream.indirect_vreg.gather @!p0 [hbm4b:s10+s28], $0x80, v3, vm1, $0xb8;
	[tilespmem:$0x18400] =	vst v63  }
0x6b: {  	s25 =	sand.u32 $0x2000, s24;
	s21 =	sand.u32 $0x380, s24  }
0x6c: {  	s22 =	sshll.u32 s20, $0xE;
	s21 =	sor.u32 s25, s21  }
0x6d: {  	s23 =	sor.u32 s22, s21  }
0x6e: {  	v3 =	vld [tilespmem:s23+$0xE070]  }
0x6f: {  	v5 =	vld [tilespmem:s23+$0xC400]  }
0x70: {  	v6 =	vld [tilespmem:s23+$0xC410]  }
0x71: {  	v7 =	vld [tilespmem:s23+$0xC420]  }
0x72: {  	v8 =	vld [tilespmem:s23+$0xC430]  }
0x73: {  	v9 =	vld [tilespmem:s23+$0xC440]  }
0x74: {  	v10 =	vld [tilespmem:s23+$0xC450]  }
0x75: {  	v11 =	vld [tilespmem:s23+$0xC460]  }
0x76: {  	v12 =	vld [tilespmem:s23+$0xC470]  }
0x77: {  	v13 =	vld [tilespmem:s23+$0xC800]  }
0x78: {  	v14 =	vld [tilespmem:s23+$0xC810]  }
0x79: {  	v15 =	vld [tilespmem:s23+$0xC820]  }
0x7a: {  	v16 =	vld [tilespmem:s23+$0xC830]  }
0x7b: {  	v17 =	vld [tilespmem:s23+$0xC840]  }
0x7c: {  	v18 =	vld [tilespmem:s23+$0xC850]  }
0x7d: {  	v19 =	vld [tilespmem:s23+$0xC860]  }
0x7e: {  	v20 =	vld [tilespmem:s23+$0xC870]  }
0x7f: {  	v21 =	vld [tilespmem:s23+$0xCC00]  }
0x80: {  	v22 =	vld [tilespmem:s23+$0xCC10]  }
0x81: {  	v23 =	vld [tilespmem:s23+$0xCC20]  }
0x82: {  	v24 =	vld [tilespmem:s23+$0xCC30]  }
0x83: {  	v25 =	vld [tilespmem:s23+$0xCC40]  }
0x84: {  	v26 =	vld [tilespmem:s23+$0xCC50]  }
0x85: {  	v27 =	vld [tilespmem:s23+$0xCC60]  }
0x86: {  	v28 =	vld [tilespmem:s23+$0xCC70]  }
0x87: {  	v29 =	vld [tilespmem:s23+$0xD000]  }
0x88: {  	v30 =	vld [tilespmem:s23+$0xD010]  }
0x89: {  	v31 =	vld [tilespmem:s23+$0xD020]  }
0x8a: {  	v32 =	vld [tilespmem:s23+$0xD030]  }
0x8b: {  	v33 =	vld [tilespmem:s23+$0xD040]  }
0x8c: {  	v34 =	vld [tilespmem:s23+$0xD050]  }
0x8d: {  	v35 =	vld [tilespmem:s23+$0xD060]  }
0x8e: {  	v36 =	vld [tilespmem:s23+$0xD070]  }
0x8f: {  	v37 =	vld [tilespmem:s23+$0xD400]  }
0x90: {  	v38 =	vld [tilespmem:s23+$0xD410]  }
0x91: {  	v39 =	vld [tilespmem:s23+$0xD420]  }
0x92: {  	v40 =	vld [tilespmem:s23+$0xD430]  }
0x93: {  	v41 =	vld [tilespmem:s23+$0xD440]  }
0x94: {  	v42 =	vld [tilespmem:s23+$0xD450]  }
0x95: {  	v43 =	vld [tilespmem:s23+$0xD460]  }
0x96: {  	v44 =	vld [tilespmem:s23+$0xD470]  }
0x97: {  	v45 =	vld [tilespmem:s23+$0xD800]  }
0x98: {  	v46 =	vld [tilespmem:s23+$0xD810]  }
0x99: {  	v47 =	vld [tilespmem:s23+$0xD820]  }
0x9a: {  	v48 =	vld [tilespmem:s23+$0xD830]  }
0x9b: {  	v49 =	vld [tilespmem:s23+$0xD840]  }
0x9c: {  	v50 =	vld [tilespmem:s23+$0xD850]  }
0x9d: {  	v51 =	vld [tilespmem:s23+$0xD860]  }
0x9e: {  	v52 =	vld [tilespmem:s23+$0xD870]  }
0x9f: {  	v53 =	vld [tilespmem:s23+$0xDC00]  }
0xa0: {  	v54 =	vld [tilespmem:s23+$0xDC10]  }
0xa1: {  	v55 =	vld [tilespmem:s23+$0xDC20]  }
0xa2: {  	v56 =	vld [tilespmem:s23+$0xDC30]  }
0xa3: {  	v57 =	vld [tilespmem:s23+$0xDC40]  }
0xa4: {  	v58 =	vld [tilespmem:s23+$0xDC50]  }
0xa5: {  	v59 =	vld [tilespmem:s23+$0xDC60]  }
0xa6: {  	v60 =	vld [tilespmem:s23+$0xDC70]  }
0xa7: {  	v61 =	vld [tilespmem:s23+$0xE000]  }
0xa8: {  	v62 =	vld [tilespmem:s23+$0xE010]  }
0xa9: {  	v63 =	vld [tilespmem:s23+$0xE020]  }
0xaa: {  	v0 =	vld [tilespmem:s23+$0xE030]  }
0xab: {  	v2 =	vld [tilespmem:s23+$0xE040]  }
0xac: {  	v4 =	vld [tilespmem:s23+$0xE050]  }
0xad: {  	[tilespmem:s23+$0x2070] =	vst.add.f32.msk $0xffff, v3  }
0xae: {  	v3 =	vld [tilespmem:s23+$0xE060]  }
0xaf: {  	[tilespmem:s23+$0x400] =	vst.add.f32.msk $0xffff, v5  }
0xb0: {  	[tilespmem:s23+$0x410] =	vst.add.f32.msk $0xffff, v6  }
0xb1: {  	[tilespmem:s23+$0x420] =	vst.add.f32.msk $0xffff, v7  }
0xb2: {  	[tilespmem:s23+$0x430] =	vst.add.f32.msk $0xffff, v8  }
0xb3: {  	[tilespmem:s23+$0x440] =	vst.add.f32.msk $0xffff, v9  }
0xb4: {  	[tilespmem:s23+$0x450] =	vst.add.f32.msk $0xffff, v10  }
0xb5: {  	[tilespmem:s23+$0x460] =	vst.add.f32.msk $0xffff, v11  }
0xb6: {  	[tilespmem:s23+$0x470] =	vst.add.f32.msk $0xffff, v12  }
0xb7: {  	[tilespmem:s23+$0x800] =	vst.add.f32.msk $0xffff, v13  }
0xb8: {  	[tilespmem:s23+$0x810] =	vst.add.f32.msk $0xffff, v14  }
0xb9: {  	[tilespmem:s23+$0x820] =	vst.add.f32.msk $0xffff, v15  }
0xba: {  	[tilespmem:s23+$0x830] =	vst.add.f32.msk $0xffff, v16  }
0xbb: {  	[tilespmem:s23+$0x840] =	vst.add.f32.msk $0xffff, v17  }
0xbc: {  	[tilespmem:s23+$0x850] =	vst.add.f32.msk $0xffff, v18  }
0xbd: {  	[tilespmem:s23+$0x860] =	vst.add.f32.msk $0xffff, v19  }
0xbe: {  	[tilespmem:s23+$0x870] =	vst.add.f32.msk $0xffff, v20  }
0xbf: {  	[tilespmem:s23+$0xC00] =	vst.add.f32.msk $0xffff, v21  }
0xc0: {  	[tilespmem:s23+$0xC10] =	vst.add.f32.msk $0xffff, v22  }
0xc1: {  	[tilespmem:s23+$0xC20] =	vst.add.f32.msk $0xffff, v23  }
0xc2: {  	[tilespmem:s23+$0xC30] =	vst.add.f32.msk $0xffff, v24  }
0xc3: {  	[tilespmem:s23+$0xC40] =	vst.add.f32.msk $0xffff, v25  }
0xc4: {  	[tilespmem:s23+$0xC50] =	vst.add.f32.msk $0xffff, v26  }
0xc5: {  	[tilespmem:s23+$0xC60] =	vst.add.f32.msk $0xffff, v27  }
0xc6: {  	[tilespmem:s23+$0xC70] =	vst.add.f32.msk $0xffff, v28  }
0xc7: {  	[tilespmem:s23+$0x1000] =	vst.add.f32.msk $0xffff, v29  }
0xc8: {  	[tilespmem:s23+$0x1010] =	vst.add.f32.msk $0xffff, v30  }
0xc9: {  	[tilespmem:s23+$0x1020] =	vst.add.f32.msk $0xffff, v31  }
0xca: {  	[tilespmem:s23+$0x1030] =	vst.add.f32.msk $0xffff, v32  }
0xcb: {  	[tilespmem:s23+$0x1040] =	vst.add.f32.msk $0xffff, v33  }
0xcc: {  	[tilespmem:s23+$0x1050] =	vst.add.f32.msk $0xffff, v34  }
0xcd: {  	[tilespmem:s23+$0x1060] =	vst.add.f32.msk $0xffff, v35  }
0xce: {  	[tilespmem:s23+$0x1070] =	vst.add.f32.msk $0xffff, v36  }
0xcf: {  	[tilespmem:s23+$0x1400] =	vst.add.f32.msk $0xffff, v37  }
0xd0: {  	[tilespmem:s23+$0x1410] =	vst.add.f32.msk $0xffff, v38  }
0xd1: {  	[tilespmem:s23+$0x1420] =	vst.add.f32.msk $0xffff, v39  }
0xd2: {  	[tilespmem:s23+$0x1430] =	vst.add.f32.msk $0xffff, v40  }
0xd3: {  	[tilespmem:s23+$0x1440] =	vst.add.f32.msk $0xffff, v41  }
0xd4: {  	[tilespmem:s23+$0x1450] =	vst.add.f32.msk $0xffff, v42  }
0xd5: {  	[tilespmem:s23+$0x1460] =	vst.add.f32.msk $0xffff, v43  }
0xd6: {  	[tilespmem:s23+$0x1470] =	vst.add.f32.msk $0xffff, v44  }
0xd7: {  	[tilespmem:s23+$0x1800] =	vst.add.f32.msk $0xffff, v45  }
0xd8: {  	[tilespmem:s23+$0x1810] =	vst.add.f32.msk $0xffff, v46  }
0xd9: {  	[tilespmem:s23+$0x1820] =	vst.add.f32.msk $0xffff, v47  }
0xda: {  	[tilespmem:s23+$0x1830] =	vst.add.f32.msk $0xffff, v48  }
0xdb: {  	[tilespmem:s23+$0x1840] =	vst.add.f32.msk $0xffff, v49  }
0xdc: {  	[tilespmem:s23+$0x1850] =	vst.add.f32.msk $0xffff, v50  }
0xdd: {  	[tilespmem:s23+$0x1860] =	vst.add.f32.msk $0xffff, v51  }
0xde: {  	[tilespmem:s23+$0x1870] =	vst.add.f32.msk $0xffff, v52  }
0xdf: {  	[tilespmem:s23+$0x1C00] =	vst.add.f32.msk $0xffff, v53  }
0xe0: {  	[tilespmem:s23+$0x1C10] =	vst.add.f32.msk $0xffff, v54  }
0xe1: {  	[tilespmem:s23+$0x1C20] =	vst.add.f32.msk $0xffff, v55  }
0xe2: {  	[tilespmem:s23+$0x1C30] =	vst.add.f32.msk $0xffff, v56  }
0xe3: {  	[tilespmem:s23+$0x1C40] =	vst.add.f32.msk $0xffff, v57  }
0xe4: {  	[tilespmem:s23+$0x1C50] =	vst.add.f32.msk $0xffff, v58  }
0xe5: {  	[tilespmem:s23+$0x1C60] =	vst.add.f32.msk $0xffff, v59  }
0xe6: {  	[tilespmem:s23+$0x1C70] =	vst.add.f32.msk $0xffff, v60  }
0xe7: {  	[tilespmem:s23+$0x2000] =	vst.add.f32.msk $0xffff, v61  }
0xe8: {  	[tilespmem:s23+$0x2010] =	vst.add.f32.msk $0xffff, v62  }
0xe9: {  	s26 =	simm.s32 $0x400;
	[tilespmem:s23+$0x2020] =	vst.add.f32.msk $0xffff, v63  }
0xea: {  	s26 =	sand.u32 $0x2000, s26;
	s24 =	simm.s32 $0x80;
	[tilespmem:s23+$0x2030] =	vst.add.f32.msk $0xffff, v0  }
0xeb: {  	s28 =	sand.u32 $0x380, s24;
	s25 =	simm.s32 $0x800;
	s21 =	sor.u32 $0x400, s22;
	[tilespmem:s23+$0x2040] =	vst.add.f32.msk $0xffff, v2  }
.LBB2_3:
0xec: {  	p0 =	sne.s32 s25, $0x3C00;
	s26 =	sor.u32 s26, s28;
	[tilespmem:s23+$0x2050] =	vst.add.f32.msk $0xffff, v4  }
0xed: {  	[tilespmem:s23+$0x2060] =	vst.add.f32.msk $0xffff, v3;
	s23 =	sor.u32 s22, s26  }
0xee: {  	v0 =	vld [tilespmem:s23+$0xE070]  }
0xef: {  	v2 =	vld [tilespmem:s23+$0xC400]  }
0xf0: {  	v6 =	vld [tilespmem:s23+$0xC410]  }
0xf1: {  	v7 =	vld [tilespmem:s23+$0xC420]  }
0xf2: {  	v8 =	vld [tilespmem:s23+$0xC430]  }
0xf3: {  	[tilespmem:s23+$0x2070] =	vst.add.f32.msk $0xffff, v0  }
0xf4: {  	v0 =	vld [tilespmem:s23+$0xC440]  }
0xf5: {  	v9 =	vld [tilespmem:s23+$0xC450]  }
0xf6: {  	v10 =	vld [tilespmem:s23+$0xC460]  }
0xf7: {  	v11 =	vld [tilespmem:s23+$0xC470]  }
0xf8: {  	v12 =	vld [tilespmem:s23+$0xC800]  }
0xf9: {  	v13 =	vld [tilespmem:s23+$0xC810]  }
0xfa: {  	v14 =	vld [tilespmem:s23+$0xC820]  }
0xfb: {  	v15 =	vld [tilespmem:s23+$0xC830]  }
0xfc: {  	v16 =	vld [tilespmem:s23+$0xC840]  }
0xfd: {  	v17 =	vld [tilespmem:s23+$0xC850]  }
0xfe: {  	v18 =	vld [tilespmem:s23+$0xC860]  }
0xff: {  	v19 =	vld [tilespmem:s23+$0xC870]  }
0x100: {  	v20 =	vld [tilespmem:s23+$0xCC00]  }
0x101: {  	v21 =	vld [tilespmem:s23+$0xCC10]  }
0x102: {  	v22 =	vld [tilespmem:s23+$0xCC20]  }
0x103: {  	v23 =	vld [tilespmem:s23+$0xCC30]  }
0x104: {  	v24 =	vld [tilespmem:s23+$0xCC40]  }
0x105: {  	v25 =	vld [tilespmem:s23+$0xCC50]  }
0x106: {  	v26 =	vld [tilespmem:s23+$0xCC60]  }
0x107: {  	v27 =	vld [tilespmem:s23+$0xCC70]  }
0x108: {  	v28 =	vld [tilespmem:s23+$0xD000]  }
0x109: {  	v29 =	vld [tilespmem:s23+$0xD010]  }
0x10a: {  	v30 =	vld [tilespmem:s23+$0xD020]  }
0x10b: {  	v31 =	vld [tilespmem:s23+$0xD030]  }
0x10c: {  	v32 =	vld [tilespmem:s23+$0xD040]  }
0x10d: {  	v33 =	vld [tilespmem:s23+$0xD050]  }
0x10e: {  	v34 =	vld [tilespmem:s23+$0xD060]  }
0x10f: {  	v35 =	vld [tilespmem:s23+$0xD070]  }
0x110: {  	v36 =	vld [tilespmem:s23+$0xD400]  }
0x111: {  	v37 =	vld [tilespmem:s23+$0xD410]  }
0x112: {  	v38 =	vld [tilespmem:s23+$0xD420]  }
0x113: {  	v39 =	vld [tilespmem:s23+$0xD430]  }
0x114: {  	v40 =	vld [tilespmem:s23+$0xD440]  }
0x115: {  	v41 =	vld [tilespmem:s23+$0xD450]  }
0x116: {  	v42 =	vld [tilespmem:s23+$0xD460]  }
0x117: {  	v43 =	vld [tilespmem:s23+$0xD470]  }
0x118: {  	v44 =	vld [tilespmem:s23+$0xD800]  }
0x119: {  	v45 =	vld [tilespmem:s23+$0xD810]  }
0x11a: {  	v46 =	vld [tilespmem:s23+$0xD820]  }
0x11b: {  	v47 =	vld [tilespmem:s23+$0xD830]  }
0x11c: {  	v48 =	vld [tilespmem:s23+$0xD840]  }
0x11d: {  	v49 =	vld [tilespmem:s23+$0xD850]  }
0x11e: {  	v50 =	vld [tilespmem:s23+$0xD860]  }
0x11f: {  	v51 =	vld [tilespmem:s23+$0xD870]  }
0x120: {  	v52 =	vld [tilespmem:s23+$0xDC00]  }
0x121: {  	v53 =	vld [tilespmem:s23+$0xDC10]  }
0x122: {  	v54 =	vld [tilespmem:s23+$0xDC20]  }
0x123: {  	v55 =	vld [tilespmem:s23+$0xDC30]  }
0x124: {  	v56 =	vld [tilespmem:s23+$0xDC40]  }
0x125: {  	v57 =	vld [tilespmem:s23+$0xDC50]  }
0x126: {  	v58 =	vld [tilespmem:s23+$0xDC60]  }
0x127: {  	v59 =	vld [tilespmem:s23+$0xDC70]  }
0x128: {  	v60 =	vld [tilespmem:s23+$0xE000]  }
0x129: {  	v61 =	vld [tilespmem:s23+$0xE010]  }
0x12a: {  	v62 =	vld [tilespmem:s23+$0xE020]  }
0x12b: {  	v63 =	vld [tilespmem:s23+$0xE030]  }
0x12c: {  	v5 =	vld [tilespmem:s23+$0xE040]  }
0x12d: {  	v4 =	vld [tilespmem:s23+$0xE050]  }
0x12e: {  	v3 =	vld [tilespmem:s23+$0xE060]  }
0x12f: {  	[tilespmem:s23+$0x400] =	vst.add.f32.msk $0xffff, v2  }
0x130: {  	[tilespmem:s23+$0x410] =	vst.add.f32.msk $0xffff, v6  }
0x131: {  	[tilespmem:s23+$0x420] =	vst.add.f32.msk $0xffff, v7  }
0x132: {  	[tilespmem:s23+$0x430] =	vst.add.f32.msk $0xffff, v8  }
0x133: {  	[tilespmem:s23+$0x440] =	vst.add.f32.msk $0xffff, v0  }
0x134: {  	[tilespmem:s23+$0x450] =	vst.add.f32.msk $0xffff, v9  }
0x135: {  	[tilespmem:s23+$0x460] =	vst.add.f32.msk $0xffff, v10  }
0x136: {  	[tilespmem:s23+$0x470] =	vst.add.f32.msk $0xffff, v11  }
0x137: {  	[tilespmem:s23+$0x800] =	vst.add.f32.msk $0xffff, v12  }
0x138: {  	[tilespmem:s23+$0x810] =	vst.add.f32.msk $0xffff, v13  }
0x139: {  	[tilespmem:s23+$0x820] =	vst.add.f32.msk $0xffff, v14  }
0x13a: {  	[tilespmem:s23+$0x830] =	vst.add.f32.msk $0xffff, v15  }
0x13b: {  	[tilespmem:s23+$0x840] =	vst.add.f32.msk $0xffff, v16  }
0x13c: {  	[tilespmem:s23+$0x850] =	vst.add.f32.msk $0xffff, v17  }
0x13d: {  	[tilespmem:s23+$0x860] =	vst.add.f32.msk $0xffff, v18  }
0x13e: {  	[tilespmem:s23+$0x870] =	vst.add.f32.msk $0xffff, v19  }
0x13f: {  	[tilespmem:s23+$0xC00] =	vst.add.f32.msk $0xffff, v20  }
0x140: {  	[tilespmem:s23+$0xC10] =	vst.add.f32.msk $0xffff, v21  }
0x141: {  	[tilespmem:s23+$0xC20] =	vst.add.f32.msk $0xffff, v22  }
0x142: {  	[tilespmem:s23+$0xC30] =	vst.add.f32.msk $0xffff, v23  }
0x143: {  	[tilespmem:s23+$0xC40] =	vst.add.f32.msk $0xffff, v24  }
0x144: {  	[tilespmem:s23+$0xC50] =	vst.add.f32.msk $0xffff, v25  }
0x145: {  	[tilespmem:s23+$0xC60] =	vst.add.f32.msk $0xffff, v26  }
0x146: {  	[tilespmem:s23+$0xC70] =	vst.add.f32.msk $0xffff, v27  }
0x147: {  	[tilespmem:s23+$0x1000] =	vst.add.f32.msk $0xffff, v28  }
0x148: {  	[tilespmem:s23+$0x1010] =	vst.add.f32.msk $0xffff, v29  }
0x149: {  	[tilespmem:s23+$0x1020] =	vst.add.f32.msk $0xffff, v30  }
0x14a: {  	[tilespmem:s23+$0x1030] =	vst.add.f32.msk $0xffff, v31  }
0x14b: {  	[tilespmem:s23+$0x1040] =	vst.add.f32.msk $0xffff, v32  }
0x14c: {  	[tilespmem:s23+$0x1050] =	vst.add.f32.msk $0xffff, v33  }
0x14d: {  	[tilespmem:s23+$0x1060] =	vst.add.f32.msk $0xffff, v34  }
0x14e: {  	[tilespmem:s23+$0x1070] =	vst.add.f32.msk $0xffff, v35  }
0x14f: {  	[tilespmem:s23+$0x1400] =	vst.add.f32.msk $0xffff, v36  }
0x150: {  	[tilespmem:s23+$0x1410] =	vst.add.f32.msk $0xffff, v37  }
0x151: {  	[tilespmem:s23+$0x1420] =	vst.add.f32.msk $0xffff, v38  }
0x152: {  	[tilespmem:s23+$0x1430] =	vst.add.f32.msk $0xffff, v39  }
0x153: {  	[tilespmem:s23+$0x1440] =	vst.add.f32.msk $0xffff, v40  }
0x154: {  	[tilespmem:s23+$0x1450] =	vst.add.f32.msk $0xffff, v41  }
0x155: {  	[tilespmem:s23+$0x1460] =	vst.add.f32.msk $0xffff, v42  }
0x156: {  	[tilespmem:s23+$0x1470] =	vst.add.f32.msk $0xffff, v43  }
0x157: {  	[tilespmem:s23+$0x1800] =	vst.add.f32.msk $0xffff, v44  }
0x158: {  	[tilespmem:s23+$0x1810] =	vst.add.f32.msk $0xffff, v45  }
0x159: {  	[tilespmem:s23+$0x1820] =	vst.add.f32.msk $0xffff, v46  }
0x15a: {  	[tilespmem:s23+$0x1830] =	vst.add.f32.msk $0xffff, v47  }
0x15b: {  	[tilespmem:s23+$0x1840] =	vst.add.f32.msk $0xffff, v48  }
0x15c: {  	[tilespmem:s23+$0x1850] =	vst.add.f32.msk $0xffff, v49  }
0x15d: {  	[tilespmem:s23+$0x1860] =	vst.add.f32.msk $0xffff, v50  }
0x15e: {  	[tilespmem:s23+$0x1870] =	vst.add.f32.msk $0xffff, v51  }
0x15f: {  	[tilespmem:s23+$0x1C00] =	vst.add.f32.msk $0xffff, v52  }
0x160: {  	[tilespmem:s23+$0x1C10] =	vst.add.f32.msk $0xffff, v53  }
0x161: {  	[tilespmem:s23+$0x1C20] =	vst.add.f32.msk $0xffff, v54  }
0x162: {  	[tilespmem:s23+$0x1C30] =	vst.add.f32.msk $0xffff, v55  }
0x163: {  	[tilespmem:s23+$0x1C40] =	vst.add.f32.msk $0xffff, v56  }
0x164: {  	[tilespmem:s23+$0x1C50] =	vst.add.f32.msk $0xffff, v57  }
0x165: {  	[tilespmem:s23+$0x1C60] =	vst.add.f32.msk $0xffff, v58  }
0x166: {  	[tilespmem:s23+$0x1C70] =	vst.add.f32.msk $0xffff, v59  }
.Ltmp0:
0x167: {  	[tilespmem:s23+$0x2000] =	vst.add.f32.msk $0xffff, v60;
	(pc) =	sbr.rel @p0 .LBB2_3-.Ltmp0, $4  }
0x168: {  	[tilespmem:s23+$0x2010] =	vst.add.f32.msk $0xffff, v61  }
0x169: {  	[tilespmem:s23+$0x2020] =	vst.add.f32.msk $0xffff, v62  }
0x16a: {  	s24 =	sadd.s32 $0x80, s24;
	[tilespmem:s23+$0x2030] =	vst.add.f32.msk $0xffff, v63  }
0x16b: {  	s26 =	sand.u32 $0x2000, s25;
	s28 =	sand.u32 $0x380, s24;
	s25 =	sadd.s32 $0x400, s25;
	[tilespmem:s23+$0x2040] =	vst.add.f32.msk $0xffff, v5  }
0x16c: {  	s24 =	sor.u32 s26, s28;
	[tilespmem:s23+$0x2050] =	vst.add.f32.msk $0xffff, v4  }
0x16d: {  	[tilespmem:s23+$0x2060] =	vst.add.f32.msk $0xffff, v3;
	s22 =	sor.u32 s22, s24  }
0x16e: {  	v0 =	vld [tilespmem:s22+$0xE070]  }
0x16f: {  	v2 =	vld [tilespmem:s22+$0xC400]  }
0x170: {  	v3 =	vld [tilespmem:s22+$0xC410]  }
0x171: {  	v4 =	vld [tilespmem:s22+$0xC420]  }
0x172: {  	v5 =	vld [tilespmem:s22+$0xC430]  }
0x173: {  	v6 =	vld [tilespmem:s22+$0xC450]  }
0x174: {  	v7 =	vld [tilespmem:s22+$0xC460]  }
0x175: {  	v8 =	vld [tilespmem:s22+$0xC470]  }
0x176: {  	v9 =	vld [tilespmem:s22+$0xC800]  }
0x177: {  	v10 =	vld [tilespmem:s22+$0xC810]  }
0x178: {  	v11 =	vld [tilespmem:s22+$0xC820]  }
0x179: {  	v12 =	vld [tilespmem:s22+$0xC830]  }
0x17a: {  	v13 =	vld [tilespmem:s22+$0xC840]  }
0x17b: {  	v14 =	vld [tilespmem:s22+$0xC850]  }
0x17c: {  	v15 =	vld [tilespmem:s22+$0xC860]  }
0x17d: {  	v16 =	vld [tilespmem:s22+$0xC870]  }
0x17e: {  	v17 =	vld [tilespmem:s22+$0xCC00]  }
0x17f: {  	v18 =	vld [tilespmem:s22+$0xCC10]  }
0x180: {  	v19 =	vld [tilespmem:s22+$0xCC20]  }
0x181: {  	v20 =	vld [tilespmem:s22+$0xCC30]  }
0x182: {  	v21 =	vld [tilespmem:s22+$0xCC40]  }
0x183: {  	v22 =	vld [tilespmem:s22+$0xCC50]  }
0x184: {  	v23 =	vld [tilespmem:s22+$0xCC60]  }
0x185: {  	v24 =	vld [tilespmem:s22+$0xCC70]  }
0x186: {  	v25 =	vld [tilespmem:s22+$0xD000]  }
0x187: {  	v26 =	vld [tilespmem:s22+$0xD010]  }
0x188: {  	v27 =	vld [tilespmem:s22+$0xD020]  }
0x189: {  	v28 =	vld [tilespmem:s22+$0xD030]  }
0x18a: {  	v29 =	vld [tilespmem:s22+$0xD040]  }
0x18b: {  	v30 =	vld [tilespmem:s22+$0xD050]  }
0x18c: {  	v31 =	vld [tilespmem:s22+$0xD060]  }
0x18d: {  	v32 =	vld [tilespmem:s22+$0xD070]  }
0x18e: {  	v33 =	vld [tilespmem:s22+$0xD400]  }
0x18f: {  	v34 =	vld [tilespmem:s22+$0xD410]  }
0x190: {  	v35 =	vld [tilespmem:s22+$0xD420]  }
0x191: {  	v36 =	vld [tilespmem:s22+$0xD430]  }
0x192: {  	v37 =	vld [tilespmem:s22+$0xD440]  }
0x193: {  	v38 =	vld [tilespmem:s22+$0xD450]  }
0x194: {  	v39 =	vld [tilespmem:s22+$0xD460]  }
0x195: {  	v40 =	vld [tilespmem:s22+$0xD470]  }
0x196: {  	v41 =	vld [tilespmem:s22+$0xD800]  }
0x197: {  	v42 =	vld [tilespmem:s22+$0xD810]  }
0x198: {  	v43 =	vld [tilespmem:s22+$0xD820]  }
0x199: {  	v44 =	vld [tilespmem:s22+$0xD830]  }
0x19a: {  	v45 =	vld [tilespmem:s22+$0xD840]  }
0x19b: {  	v46 =	vld [tilespmem:s22+$0xD850]  }
0x19c: {  	v47 =	vld [tilespmem:s22+$0xD860]  }
0x19d: {  	v48 =	vld [tilespmem:s22+$0xD870]  }
0x19e: {  	v49 =	vld [tilespmem:s22+$0xDC00]  }
0x19f: {  	v50 =	vld [tilespmem:s22+$0xDC10]  }
0x1a0: {  	v51 =	vld [tilespmem:s22+$0xDC20]  }
0x1a1: {  	v52 =	vld [tilespmem:s22+$0xDC30]  }
0x1a2: {  	v53 =	vld [tilespmem:s22+$0xDC40]  }
0x1a3: {  	v54 =	vld [tilespmem:s22+$0xDC50]  }
0x1a4: {  	v55 =	vld [tilespmem:s22+$0xDC60]  }
0x1a5: {  	v56 =	vld [tilespmem:s22+$0xDC70]  }
0x1a6: {  	v57 =	vld [tilespmem:s22+$0xE000]  }
0x1a7: {  	v58 =	vld [tilespmem:s22+$0xE010]  }
0x1a8: {  	v59 =	vld [tilespmem:s22+$0xE020]  }
0x1a9: {  	v60 =	vld [tilespmem:s22+$0xE030]  }
0x1aa: {  	v61 =	vld [tilespmem:s22+$0xE040]  }
0x1ab: {  	v62 =	vld [tilespmem:s22+$0xE050]  }
0x1ac: {  	v63 =	vld [tilespmem:s22+$0xE060]  }
0x1ad: {  	[tilespmem:s22+$0x2070] =	vst.add.f32.msk $0xffff, v0  }
0x1ae: {  	v0 =	vld [tilespmem:s22+$0xC440]  }
0x1af: {  	[tilespmem:s22+$0x400] =	vst.add.f32.msk $0xffff, v2  }
0x1b0: {  	[tilespmem:s22+$0x410] =	vst.add.f32.msk $0xffff, v3  }
0x1b1: {  	[tilespmem:s22+$0x420] =	vst.add.f32.msk $0xffff, v4  }
0x1b2: {  	[tilespmem:s22+$0x430] =	vst.add.f32.msk $0xffff, v5  }
0x1b3: {  	[tilespmem:s22+$0x450] =	vst.add.f32.msk $0xffff, v6  }
0x1b4: {  	[tilespmem:s22+$0x460] =	vst.add.f32.msk $0xffff, v7  }
0x1b5: {  	[tilespmem:s22+$0x470] =	vst.add.f32.msk $0xffff, v8  }
0x1b6: {  	[tilespmem:s22+$0x800] =	vst.add.f32.msk $0xffff, v9  }
0x1b7: {  	[tilespmem:s22+$0x810] =	vst.add.f32.msk $0xffff, v10  }
0x1b8: {  	[tilespmem:s22+$0x820] =	vst.add.f32.msk $0xffff, v11  }
0x1b9: {  	[tilespmem:s22+$0x830] =	vst.add.f32.msk $0xffff, v12  }
0x1ba: {  	[tilespmem:s22+$0x840] =	vst.add.f32.msk $0xffff, v13  }
0x1bb: {  	[tilespmem:s22+$0x850] =	vst.add.f32.msk $0xffff, v14  }
0x1bc: {  	[tilespmem:s22+$0x860] =	vst.add.f32.msk $0xffff, v15  }
0x1bd: {  	[tilespmem:s22+$0x870] =	vst.add.f32.msk $0xffff, v16  }
0x1be: {  	[tilespmem:s22+$0xC00] =	vst.add.f32.msk $0xffff, v17  }
0x1bf: {  	[tilespmem:s22+$0xC10] =	vst.add.f32.msk $0xffff, v18  }
0x1c0: {  	[tilespmem:s22+$0xC20] =	vst.add.f32.msk $0xffff, v19  }
0x1c1: {  	[tilespmem:s22+$0xC30] =	vst.add.f32.msk $0xffff, v20  }
0x1c2: {  	[tilespmem:s22+$0xC40] =	vst.add.f32.msk $0xffff, v21  }
0x1c3: {  	[tilespmem:s22+$0xC50] =	vst.add.f32.msk $0xffff, v22  }
0x1c4: {  	[tilespmem:s22+$0xC60] =	vst.add.f32.msk $0xffff, v23  }
0x1c5: {  	[tilespmem:s22+$0xC70] =	vst.add.f32.msk $0xffff, v24  }
0x1c6: {  	[tilespmem:s22+$0x1000] =	vst.add.f32.msk $0xffff, v25  }
0x1c7: {  	[tilespmem:s22+$0x1010] =	vst.add.f32.msk $0xffff, v26  }
0x1c8: {  	[tilespmem:s22+$0x1020] =	vst.add.f32.msk $0xffff, v27  }
0x1c9: {  	[tilespmem:s22+$0x1030] =	vst.add.f32.msk $0xffff, v28  }
0x1ca: {  	[tilespmem:s22+$0x1040] =	vst.add.f32.msk $0xffff, v29  }
0x1cb: {  	[tilespmem:s22+$0x1050] =	vst.add.f32.msk $0xffff, v30  }
0x1cc: {  	[tilespmem:s22+$0x1060] =	vst.add.f32.msk $0xffff, v31  }
0x1cd: {  	[tilespmem:s22+$0x1070] =	vst.add.f32.msk $0xffff, v32  }
0x1ce: {  	[tilespmem:s22+$0x1400] =	vst.add.f32.msk $0xffff, v33  }
0x1cf: {  	[tilespmem:s22+$0x1410] =	vst.add.f32.msk $0xffff, v34  }
0x1d0: {  	[tilespmem:s22+$0x1420] =	vst.add.f32.msk $0xffff, v35  }
0x1d1: {  	[tilespmem:s22+$0x1430] =	vst.add.f32.msk $0xffff, v36  }
0x1d2: {  	[tilespmem:s22+$0x1440] =	vst.add.f32.msk $0xffff, v37  }
0x1d3: {  	[tilespmem:s22+$0x1450] =	vst.add.f32.msk $0xffff, v38  }
0x1d4: {  	[tilespmem:s22+$0x1460] =	vst.add.f32.msk $0xffff, v39  }
0x1d5: {  	[tilespmem:s22+$0x1470] =	vst.add.f32.msk $0xffff, v40  }
0x1d6: {  	[tilespmem:s22+$0x1800] =	vst.add.f32.msk $0xffff, v41  }
0x1d7: {  	[tilespmem:s22+$0x1810] =	vst.add.f32.msk $0xffff, v42  }
0x1d8: {  	[tilespmem:s22+$0x1820] =	vst.add.f32.msk $0xffff, v43  }
0x1d9: {  	[tilespmem:s22+$0x1830] =	vst.add.f32.msk $0xffff, v44  }
0x1da: {  	[tilespmem:s22+$0x1840] =	vst.add.f32.msk $0xffff, v45  }
0x1db: {  	[tilespmem:s22+$0x1850] =	vst.add.f32.msk $0xffff, v46  }
0x1dc: {  	[tilespmem:s22+$0x1860] =	vst.add.f32.msk $0xffff, v47  }
0x1dd: {  	[tilespmem:s22+$0x1870] =	vst.add.f32.msk $0xffff, v48  }
0x1de: {  	[tilespmem:s22+$0x1C00] =	vst.add.f32.msk $0xffff, v49  }
0x1df: {  	[tilespmem:s22+$0x1C10] =	vst.add.f32.msk $0xffff, v50  }
0x1e0: {  	[tilespmem:s22+$0x1C20] =	vst.add.f32.msk $0xffff, v51  }
0x1e1: {  	[tilespmem:s22+$0x1C30] =	vst.add.f32.msk $0xffff, v52  }
0x1e2: {  	[tilespmem:s22+$0x1C40] =	vst.add.f32.msk $0xffff, v53  }
0x1e3: {  	[tilespmem:s22+$0x1C50] =	vst.add.f32.msk $0xffff, v54  }
0x1e4: {  	[tilespmem:s22+$0x1C60] =	vst.add.f32.msk $0xffff, v55  }
0x1e5: {  	[tilespmem:s22+$0x1C70] =	vst.add.f32.msk $0xffff, v56  }
0x1e6: {  	[tilespmem:s22+$0x2000] =	vst.add.f32.msk $0xffff, v57  }
0x1e7: {  	[tilespmem:s22+$0x2010] =	vst.add.f32.msk $0xffff, v58  }
0x1e8: {  	s26 =	sshll.u32 s19, $0xB;
	s19 =	sadd.s32 $0x1, s19;
	[tilespmem:s22+$0x2020] =	vst.add.f32.msk $0xffff, v59  }
0x1e9: {  	p0 =	sne.s32 s19, $0x40;
	[tilespmem:s22+$0x2030] =	vst.add.f32.msk $0xffff, v60  }
.Ltmp1:
0x1ea: {  	[tilespmem:s22+$0x2040] =	vst.add.f32.msk $0xffff, v61;
	(pc) =	sbr.rel @p0 .LBB2_2-.Ltmp1, $4  }
0x1eb: {  	[tilespmem:s22+$0x2050] =	vst.add.f32.msk $0xffff, v62  }
0x1ec: {  	[tilespmem:s22+$0x2060] =	vst.add.f32.msk $0xffff, v63  }
0x1ed: {  	s20 =	sadd.s32 $0x7, s20;
	s28 =	sadd.s32 s26, s12;
	[tilespmem:s22+$0x440] =	vst.add.f32.msk $0xffff, v0  }
0x1ee: {  	[hbm4b:s28+s4] =	stream.linear.scatter [tilespmem:s21], [sflag:s20], $0x4000, $0x38;
	[tilespmem:$0x18400] =	vst v63  }
0x1ef: {  	_ =	swait.ge [sflag:s15], $0x4000  }
0x1f0: {  	[sflag:s15] =	ssyncset.done $0x0  }
0x1f1: {  	s18 =	sadd.s32 $0x1, s18;
	[sflag:s15] =	ssyncadd.s32 $0xFFFFC000  }
0x1f2: {  	p0 =	sne.s32 s18, s13;
	_ =	swait.ge [sflag:s16], $0x4000  }
.Ltmp2:
0x1f3: {  	[sflag:s16] =	ssyncset.done $0x0;
	(pc) =	sbr.rel @p0 .LBB2_1-.Ltmp2, $4  }
0x1f4: {  	[sflag:s16] =	ssyncadd.s32 $0xFFFFC000  }
0x1f5: {  	_ =	swait.ge [sflag:s17], $0x4000  }
0x1f6: {  	[sflag:s17] =	ssyncset.done $0x0  }
0x1f7: {  	[sflag:s17] =	ssyncadd.s32 $0xFFFFC000  }
0x1f8: {  	_ =	sfence.sel $0x180000  }
0x1f9: {  	[bflag:$0x0] =	sbarrier.arrive $0xFFFF  }
0x1fa: {  	_ =	strace $0x90000047  }
0x1fb: {  	s0 =	stileid.u32;
	[bflag:$0x2] =	sbarrier.arrive $0xFFFF  }
0x1fc: {  	p0 =	sne.s32 s0, $0x0;
	s0 =	rddreg [dreg:$0x4]  }
0x1fd: {  	s0 =	sadd.s32 @!p0 $0x100000, s0  }
0x1fe: {  	[sflag:s0] =	ssyncadd.tile.s32 @!p0 $0x1;
	_ =	shalt  }
.Lfunc_end2:
_tile_overlayer_lowered:
.L_overlay_start_2:
0x1ff: {  	(tag) =	ssettag $0x2  }
0x200: {  	s0 =	rddreg [dreg:$0x0];
	s2 =	stileid.u32  }
0x201: {  	s1 =	rddreg [dreg:$0x1];
	p0 =	sne.s32 s2, $0x0  }
0x202: {  	s3 =	rddreg [dreg:$0x2];
	[bflag:$0x3] =	sbarrier.arrive $0xFFFF;
	s2 =	simm.s32 @!p0 $0x1C0A  }
0x203: {  	[timem:s3], [sflag:s2] =	dma.local @!p0 [hbm:s0], s1  }
0x204: {  	s0 =	simm.s32 @!p0 $0xA  }
0x205: {  	_ =	swait.ge @!p0 [sflag:s0], s1  }
0x206: {  	s1 =	ssub.s32 @!p0 $0x0, s1;
	[sflag:s0] =	ssyncset.done @!p0 $0x0  }
0x207: {  	[sflag:s0] =	ssyncadd.s32 @!p0 s1  }
0x208: {  	[bflag:$0x3] =	sbarrier.arrive $0xFFFF  }
0x209: {  	_ =	shalt  }

</sc_bundles>
